<compile_context>
chip_gen: v7x
topology: tpu7x:2x2x1
jax: 0.10.2.dev20260603
libtpu: 0.0.44.dev20260713+nightly
codegen_flags: <defaults>
</compile_context>

<pallas_src>
import functools
import math

import jax
import jax.numpy as jnp
from jax import lax
from jax.experimental import pallas as pl
from jax.experimental.pallas import tpu as pltpu
from jax.experimental.pallas import tpu_sc as plsc

CHUNK = 80


def _make_sc_segment_sum(N, E, D):
    NC, NS = 2, 16
    DC = D // NC
    NCH = E // CHUNK
    assert NCH * CHUNK == E and DC * NC == D
    assert CHUNK % 8 == 0
    ZR = 40
    NB = N // ZR
    assert NB * ZR == N
    qb, rb = divmod(NB, NS)
    qp, rp = divmod(NCH // 2, NS)
    assert NCH % 2 == 0 and qp > 0

    mesh = plsc.VectorSubcoreMesh(core_axis_name="c", subcore_axis_name="s")

    @functools.partial(
        pl.kernel,
        out_type=jax.ShapeDtypeStruct((N, D), jnp.float32),
        mesh=mesh,
        scratch_types=[
            pltpu.VMEM((CHUNK,), jnp.int32),
            pltpu.VMEM((CHUNK,), jnp.int32),
            pltpu.VMEM((CHUNK,), jnp.int32),
            pltpu.VMEM((CHUNK,), jnp.int32),
            pltpu.VMEM((CHUNK, DC), jnp.float32),
            pltpu.VMEM((CHUNK, DC), jnp.float32),
            pltpu.VMEM((CHUNK, DC), jnp.float32),
            pltpu.VMEM((CHUNK, DC), jnp.float32),
            pltpu.VMEM_SHARED((N, DC), jnp.float32),
            pltpu.SemaphoreType.DMA,
            pltpu.SemaphoreType.DMA,
            pltpu.SemaphoreType.DMA,
            pltpu.SemaphoreType.DMA,
        ],
    )
    def sc_seg_sum(node2, edge_feats, src1, dst1, out,
                   src_i0, src_i1, dst_i0, dst_i1, ebuf0, ebuf1, nbuf0, nbuf1,
                   agg_sh, sem_i, sem_e, sem_n, sem_s):
        src_i = (src_i0, src_i1)
        dst_i = (dst_i0, dst_i1)
        ebuf = (ebuf0, ebuf1)
        nbuf = (nbuf0, nbuf1)
        cid = lax.axis_index("c")
        sid = lax.axis_index("s")
        col0 = pl.multiple_of(cid * DC, DC)

        zvec = jnp.zeros((16,), jnp.float32)

        def zero_body(i, _):
            rr = i // (DC // 16)
            cc = i % (DC // 16)
            ebuf0[rr, pl.ds(cc * 16, 16)] = zvec
            return 0

        lax.fori_loop(0, ZR * (DC // 16), zero_body, 0)
        blk0 = sid * qb + jnp.minimum(sid, rb)
        nblk = jnp.where(sid < rb, qb + 1, qb)

        def zcopy_body(k, _):
            r0 = pl.multiple_of((blk0 + k) * ZR, 8)
            pltpu.sync_copy(ebuf0.at[pl.ds(0, ZR)], agg_sh.at[pl.ds(r0, ZR)])
            return 0

        lax.fori_loop(0, nblk, zcopy_body, 0)
        plsc.subcore_barrier()

        base = (sid * qp + jnp.minimum(sid, rp)) * 2
        nch = jnp.where(sid < rp, qp + 1, qp) * 2

        def issue_idx(j, p):
            e0 = pl.multiple_of((base + j) * CHUNK, 8)
            pltpu.async_copy(src1.at[pl.ds(e0, CHUNK)], src_i[p], sem_i)
            pltpu.async_copy(dst1.at[pl.ds(e0, CHUNK)], dst_i[p], sem_i)

        def wait_idx(p):
            pltpu.make_async_copy(src1.at[pl.ds(0, CHUNK)], src_i[p],
                                  sem_i).wait()
            pltpu.make_async_copy(dst1.at[pl.ds(0, CHUNK)], dst_i[p],
                                  sem_i).wait()

        def issue_edge(j, p):
            e0 = pl.multiple_of((base + j) * CHUNK, 8)
            pltpu.async_copy(edge_feats.at[pl.ds(e0, CHUNK), pl.ds(col0, DC)],
                            ebuf[p], sem_e)

        def wait_edge(p):
            pltpu.make_async_copy(
                edge_feats.at[pl.ds(0, CHUNK), pl.ds(0, DC)],
                ebuf[p], sem_e).wait()

        def issue_gather(p):
            def xform(k, _):
                v = src_i[p][pl.ds(k * 16, 16)]
                src_i[p][pl.ds(k * 16, 16)] = v * 2 + cid
                return 0

            lax.fori_loop(0, CHUNK // 16, xform, 0)
            pltpu.async_copy(node2.at[src_i[p]], nbuf[p], sem_n)

        def wait_gather(p):
            pltpu.make_async_copy(node2.at[pl.ds(0, CHUNK)], nbuf[p],
                                  sem_n).wait()

        issue_idx(0, 0)
        issue_idx(1, 1)
        issue_edge(0, 0)
        issue_edge(1, 1)
        wait_idx(0)
        issue_gather(0)

        def body(jj, _):
            for p in (0, 1):
                j = 2 * jj + p
                q = 1 - p

                @pl.when(j + 1 < nch)
                def _():
                    wait_idx(q)
                    issue_gather(q)

                wait_edge(p)
                wait_gather(p)
                pltpu.async_copy(ebuf[p], agg_sh.at[dst_i[p]], sem_s,
                                 add=True)
                pltpu.sync_copy(nbuf[p], agg_sh.at[dst_i[p]], add=True)
                pltpu.make_async_copy(ebuf[p], agg_sh.at[pl.ds(0, CHUNK)],
                                      sem_s).wait()

                @pl.when(j + 2 < nch)
                def _():
                    issue_idx(j + 2, p)
                    issue_edge(j + 2, p)
            return 0

        lax.fori_loop(0, nch // 2, body, 0)
        plsc.subcore_barrier()

        w0 = pl.multiple_of(blk0 * ZR, 8)

        @pl.when(sid < rb)
        def _():
            pltpu.sync_copy(agg_sh.at[pl.ds(w0, (qb + 1) * ZR)],
                            out.at[pl.ds(w0, (qb + 1) * ZR), pl.ds(col0, DC)])

        @pl.when(sid >= rb)
        def _():
            pltpu.sync_copy(agg_sh.at[pl.ds(w0, qb * ZR)],
                            out.at[pl.ds(w0, qb * ZR), pl.ds(col0, DC)])

    return sc_seg_sum


def _tc_mlp_ln(agg, node_feats, W1, b1, W2, b2, gamma, beta):
    N, D = node_feats.shape
    H = W1.shape[1]
    BR = 1000
    inv_sqrt_n = 1.0 / math.sqrt(float(N))

    def body(agg_ref, node_ref, w1_ref, b1_ref, w2_ref, b2_ref, g_ref, be_ref,
             out_ref):
        a = agg_ref[...].astype(jnp.bfloat16)
        h = jnp.dot(a, w1_ref[...].astype(jnp.bfloat16),
                    preferred_element_type=jnp.float32)
        h = jnp.maximum(h + b1_ref[...], 0.0)
        h = jnp.dot(h.astype(jnp.bfloat16), w2_ref[...].astype(jnp.bfloat16),
                    preferred_element_type=jnp.float32)
        h = h + b2_ref[...]
        mean = jnp.mean(h, axis=-1, keepdims=True)
        c = h - mean
        var = jnp.mean(c * c, axis=-1, keepdims=True)
        h = c * lax.rsqrt(var + 1e-5) * g_ref[...] + be_ref[...]
        h = jnp.maximum(h * inv_sqrt_n, 0.0)
        out_ref[...] = h + node_ref[...]

    grid = (N // BR,)
    return pl.pallas_call(
        body,
        grid=grid,
        in_specs=[
            pl.BlockSpec((BR, D), lambda i: (i, 0)),
            pl.BlockSpec((BR, D), lambda i: (i, 0)),
            pl.BlockSpec((D, H), lambda i: (0, 0)),
            pl.BlockSpec((1, H), lambda i: (0, 0)),
            pl.BlockSpec((H, D), lambda i: (0, 0)),
            pl.BlockSpec((1, D), lambda i: (0, 0)),
            pl.BlockSpec((1, D), lambda i: (0, 0)),
            pl.BlockSpec((1, D), lambda i: (0, 0)),
        ],
        out_specs=pl.BlockSpec((BR, D), lambda i: (i, 0)),
        out_shape=jax.ShapeDtypeStruct((N, D), jnp.float32),
    )(agg, node_feats, W1, b1.reshape(1, H), W2, b2.reshape(1, D),
      gamma.reshape(1, D), beta.reshape(1, D))


def kernel(node_feats, edge_feats, edge_index, W1, b1, W2, b2, gamma, beta):
    N, D = node_feats.shape
    E = edge_feats.shape[0]
    DC = D // 2

    src1 = edge_index[0]
    dst1 = edge_index[1]
    node2 = node_feats.reshape(2 * N, DC)

    sc_seg_sum = _make_sc_segment_sum(N, E, D)
    agg = sc_seg_sum(node2, edge_feats, src1, dst1)

    return _tc_mlp_ln(agg, node_feats, W1, b1, W2, b2, gamma, beta)

# --- scband reference (transcript-rebuilt; emitter-appended) ---
"""Pipeline reference for scband-inner-gnn-38104949850637 (READ-ONLY COPY).

The authoritative reference and input builder live on the scoring server;
editing this copy changes nothing except your own understanding.
"""

import jax, jax.numpy as jnp
import numpy as np

N = 10000
E = 160000
D = 256
H = 512

def setup_inputs(seed: int = 0) -> dict:
    key = jax.random.key(seed)
    ks = jax.random.split(key, 9)
    node_feats = jax.random.normal(ks[0], (N, D), dtype=jnp.float32)
    edge_feats = jax.random.normal(ks[1], (E, D), dtype=jnp.float32)
    edge_index = jax.random.randint(ks[2], (2, E), 0, N, dtype=jnp.int32)
    W1 = jax.random.normal(ks[3], (D, H), dtype=jnp.float32) * (1.0 / np.sqrt(D))
    b1 = jnp.zeros((H,), dtype=jnp.float32)
    W2 = jax.random.normal(ks[4], (H, D), dtype=jnp.float32) * (1.0 / np.sqrt(H))
    b2 = jnp.zeros((D,), dtype=jnp.float32)
    gamma = jnp.ones((D,), dtype=jnp.float32)
    beta = jnp.zeros((D,), dtype=jnp.float32)
    return {"node_feats": node_feats, "edge_feats": edge_feats, "edge_index": edge_index,
            "W1": W1, "b1": b1, "W2": W2, "b2": b2, "gamma": gamma, "beta": beta}

def reference(node_feats, edge_feats, edge_index, W1, b1, W2, b2, gamma, beta):
    src = edge_index[0]
    dst = edge_index[1]
    n = node_feats.shape[0]
    # SimpleGIN message passing: msg = src_node_feat + edge_feat, sum-aggregate to dst
    msg = jnp.take(node_feats, src, axis=0) + edge_feats
    agg = jax.ops.segment_sum(msg, dst, num_segments=n)
    # 2-layer MLP after message passing
    h = jnp.maximum(agg @ W1 + b1, 0.0) @ W2 + b2
    # LayerNorm
    mean = jnp.mean(h, axis=-1, keepdims=True)
    var = jnp.var(h, axis=-1, keepdims=True)
    h = (h - mean) / jnp.sqrt(var + 1e-5) * gamma + beta
    # SqrtGraphNorm: divide by sqrt(num_nodes) (single-graph batch)
    h = h / jnp.sqrt(jnp.asarray(n, dtype=jnp.float32))
    # last activation (has_last_act=True)
    h = jnp.maximum(h, 0.0)
    # dropout is identity at inference
    out = h + node_feats
    return out

if __name__ == "__main__":
    import jax
    _d = setup_inputs()
    print(jax.jit(kernel)(*tuple(_d.values())))

</pallas_src>

<mosaic_0001>
#map = affine_map<(d0, d1) -> (0, 0)>
#map1 = affine_map<(d0, d1) -> (0)>
module attributes {stable_mosaic.version = 14 : i64} {
  func.func @sc_seg_sum(%arg0: i32, %arg1: i32, %arg2: memref<20000x128xf32, #tpu.memory_space<hbm>>, %arg3: memref<160000x256xf32, #tpu.memory_space<hbm>>, %arg4: memref<160000xi32, #tpu.memory_space<hbm>>, %arg5: memref<160000xi32, #tpu.memory_space<hbm>>, %arg6: memref<10000x256xf32, #tpu.memory_space<hbm>>, %arg7: memref<80xi32, #tpu.memory_space<vmem>>, %arg8: memref<80xi32, #tpu.memory_space<vmem>>, %arg9: memref<80xi32, #tpu.memory_space<vmem>>, %arg10: memref<80xi32, #tpu.memory_space<vmem>>, %arg11: memref<80x128xf32, #tpu.memory_space<vmem>>, %arg12: memref<80x128xf32, #tpu.memory_space<vmem>>, %arg13: memref<80x128xf32, #tpu.memory_space<vmem>>, %arg14: memref<80x128xf32, #tpu.memory_space<vmem>>, %arg15: memref<10000x128xf32, #tpu.memory_space<vmem_shared>>, %arg16: memref<!tpu.dma_semaphore, #tpu.memory_space<semaphore_mem>>, %arg17: memref<!tpu.dma_semaphore, #tpu.memory_space<semaphore_mem>>, %arg18: memref<!tpu.dma_semaphore, #tpu.memory_space<semaphore_mem>>, %arg19: memref<!tpu.dma_semaphore, #tpu.memory_space<semaphore_mem>>) attributes {dimension_semantics = [#tpu.dimension_semantics<core_parallel>, #tpu.dimension_semantics<subcore_parallel>], iteration_bounds = array<i64: 2, 16>, scalar_prefetch = 0 : i64, scratch_operands = 13 : i64, tpu.core_type = #tpu.core_type<sc_vector_subcore>, window_params = [{transform_indices = #map}, {transform_indices = #map}, {transform_indices = #map1}, {transform_indices = #map1}, {transform_indices = #map}]} {
    %mul3A = arith.constant 128 : i32
    %mul3A_0 = arith.muli %arg0, %mul3A : i32
    %multiple_of3A = tpu.assume_multiple %mul3A_0, 128 : i32
    %broadcast_in_dim3A = arith.constant 0.000000e+00 : f32
    %broadcast_in_dim3A_1 = vector.broadcast %broadcast_in_dim3A : f32 to vector<16xf32>
    %scan3A = arith.constant 0 : i32
    %scan3A_2 = arith.constant 0 : i32
    %scan3A_3 = arith.constant 320 : i32
    %scan3A_4 = arith.addi %scan3A_2, %scan3A_3 : i32
    %scan3A_5 = arith.constant 1 : i32
    %scan3A_6 = scf.for %scan3A_127 = %scan3A_2 to %scan3A_4 step %scan3A_5 iter_args(%scan3A_128 = %scan3A) -> (i32)  : i32 {
      %jit3A_129 = arith.constant 8 : i32
      %div3A_130 = arith.divsi %scan3A_127, %jit3A_129 : i32
      %sign3A_131 = arith.constant 0 : i32
      %sign3A_132 = arith.cmpi sgt, %scan3A_127, %sign3A_131 : i32
      %sign3A_133 = arith.extui %sign3A_132 : i1 to i32
      %sign3A_134 = arith.constant 0 : i32
      %sign3A_135 = arith.cmpi slt, %scan3A_127, %sign3A_134 : i32
      %sign3A_136 = arith.extui %sign3A_135 : i1 to i32
      %sign3A_137 = arith.subi %sign3A_133, %sign3A_136 : i32
      %sign3A_138 = arith.constant 0 : i32
      %sign3A_139 = arith.cmpi sgt, %jit3A_129, %sign3A_138 : i32
      %sign3A_140 = arith.extui %sign3A_139 : i1 to i32
      %sign3A_141 = arith.constant 0 : i32
      %sign3A_142 = arith.cmpi slt, %jit3A_129, %sign3A_141 : i32
      %sign3A_143 = arith.extui %sign3A_142 : i1 to i32
      %sign3A_144 = arith.subi %sign3A_140, %sign3A_143 : i32
      %ne3A_145 = arith.cmpi ne, %sign3A_137, %sign3A_144 : i32
      %rem3A_146 = arith.remsi %scan3A_127, %jit3A_129 : i32
      %ne3A_147 = arith.constant 0 : i32
      %ne3A_148 = arith.cmpi ne, %rem3A_146, %ne3A_147 : i32
      %and3A_149 = arith.andi %ne3A_145, %ne3A_148 : i1
      %sub3A_150 = arith.constant 1 : i32
      %sub3A_151 = arith.subi %div3A_130, %sub3A_150 : i32
      %select_n3A_152 = arith.select %and3A_149, %sub3A_151, %div3A_130 : i32
      %jit3A_153 = arith.constant 8 : i32
      %eq3A = arith.constant 0 : i32
      %eq3A_154 = arith.cmpi eq, %jit3A_153, %eq3A : i32
      %jit3A_155 = arith.constant 1 : i32
      %select_n3A_156 = arith.select %eq3A_154, %jit3A_155, %jit3A_153 : i32
      %rem3A_157 = arith.remsi %scan3A_127, %select_n3A_156 : i32
      %ne3A_158 = arith.constant 0 : i32
      %ne3A_159 = arith.cmpi ne, %rem3A_157, %ne3A_158 : i32
      %lt3A_160 = arith.constant 0 : i32
      %lt3A_161 = arith.cmpi slt, %rem3A_157, %lt3A_160 : i32
      %lt3A_162 = arith.constant 0 : i32
      %lt3A_163 = arith.cmpi slt, %select_n3A_156, %lt3A_162 : i32
      %ne3A_164 = arith.xori %lt3A_161, %lt3A_163 : i1
      %and3A_165 = arith.andi %ne3A_164, %ne3A_159 : i1
      %add3A_166 = arith.addi %rem3A_157, %select_n3A_156 : i32
      %select_n3A_167 = arith.select %and3A_165, %add3A_166, %rem3A_157 : i32
      %mul3A_168 = arith.constant 16 : i32
      %mul3A_169 = arith.muli %select_n3A_167, %mul3A_168 : i32
      %swap3A = arith.index_cast %select_n3A_152 : i32 to index
      %swap3A_170 = arith.index_cast %mul3A_169 : i32 to index
      %swap3A_171 = tpu.vector_load %arg11[%swap3A, %swap3A_170] {strides = array<i32>} : memref<80x128xf32, #tpu.memory_space<vmem>>, vector<1x16xf32>,
      %swap3A_172 = vector.shape_cast %swap3A_171 : vector<1x16xf32> to vector<16xf32>
      %swap3A_173 = vector.shape_cast %broadcast_in_dim3A_1 : vector<16xf32> to vector<1x16xf32>
      tpu.vector_store %arg11[%swap3A, %swap3A_170], %swap3A_173 {strides = array<i32>} : memref<80x128xf32, #tpu.memory_space<vmem>>, vector<1x16xf32>,
      %scan3A_174 = arith.constant 0 : i32
      scf.yield %scan3A_174 : i32
    }
    %scan3A_7 = arith.constant 320 : i32
    %mul3A_8 = arith.constant 15 : i32
    %mul3A_9 = arith.muli %arg1, %mul3A_8 : i32
    %min3A = arith.constant 10 : i32
    %min3A_10 = arith.minsi %arg1, %min3A : i32
    %add3A = arith.addi %mul3A_9, %min3A_10 : i32
    %lt3A = arith.constant 10 : i32
    %lt3A_11 = arith.cmpi slt, %arg1, %lt3A : i32
    %jit3A = arith.constant 16 : i32
    %jit3A_12 = arith.constant 15 : i32
    %select_n3A = arith.select %lt3A_11, %jit3A, %jit3A_12 : i32
    %while3A = arith.constant 0 : i32
    %while3A_13 = arith.constant 0 : i32
    %while3A_14 = arith.subi %select_n3A, %while3A : i32
    %while3A_15 = arith.addi %while3A, %while3A_14 : i32
    %while3A_16 = arith.constant 1 : i32
    %while3A_17 = arith.divsi %while3A_14, %while3A_16 : i32
    %while3A_18 = arith.muli %while3A_17, %while3A_16 : i32
    %while3A_19 = arith.addi %while3A, %while3A_18 : i32
    %while3A_20 = arith.constant 1 : i32
    %while3A_21 = scf.for %while3A_127 = %while3A to %while3A_19 step %while3A_20 iter_args(%while3A_128 = %while3A_13) -> (i32)  : i32 {
      %add3A_129 = arith.addi %add3A, %while3A_127 : i32
      %mul3A_130 = arith.constant 40 : i32
      %mul3A_131 = arith.muli %add3A_129, %mul3A_130 : i32
      %multiple_of3A_132 = tpu.assume_multiple %mul3A_131, 8 : i32
      "tpu.region"() ({
        %run_scoped3A = tpu.sem_alloc : memref<!tpu.dma_semaphore, #tpu.memory_space<semaphore_mem>>
        %dma_start3A_134 = arith.constant 0 : i32
        %dma_start3A_135 = arith.constant 0 : i32
        %dma_start3A_136 = tpu.memref_slice %arg11[%dma_start3A_134, %dma_start3A_135] : memref<80x128xf32, #tpu.memory_space<vmem>> -> memref<40x128xf32, #tpu.memory_space<vmem>>
        %dma_start3A_137 = arith.constant 0 : i32
        %dma_start3A_138 = tpu.memref_slice %arg15[%multiple_of3A_132, %dma_start3A_137] : memref<10000x128xf32, #tpu.memory_space<vmem_shared>> -> memref<40x128xf32, #tpu.memory_space<vmem_shared>>
        %dma_start3A_139 = arith.constant 0 : i32
        %dma_start3A_140 = tpu.memref_slice %arg15[%multiple_of3A_132, %dma_start3A_139] : memref<10000x128xf32, #tpu.memory_space<vmem_shared>> -> memref<40x128xf32, #tpu.memory_space<vmem_shared>>
        %dma_start3A_141 = arith.constant 0 : i32
        %dma_start3A_142 = arith.constant 0 : i32
        %dma_start3A_143 = tpu.memref_slice %arg11[%dma_start3A_141, %dma_start3A_142] : memref<80x128xf32, #tpu.memory_space<vmem>> -> memref<40x128xf32, #tpu.memory_space<vmem>>
        tpu.enqueue_dma source(%dma_start3A_143 : memref<40x128xf32, #tpu.memory_space<vmem>>) target(%dma_start3A_140 : memref<40x128xf32, #tpu.memory_space<vmem_shared>>) target_semaphore(%run_scoped3A : memref<!tpu.dma_semaphore, #tpu.memory_space<semaphore_mem>>)
        %dma_wait3A_144 = arith.constant 0 : i32
        %dma_wait3A_145 = arith.constant 0 : i32
        %dma_wait3A_146 = tpu.memref_slice %arg11[%dma_wait3A_144, %dma_wait3A_145] : memref<80x128xf32, #tpu.memory_space<vmem>> -> memref<40x128xf32, #tpu.memory_space<vmem>>
        %dma_wait3A_147 = arith.constant 0 : i32
        %dma_wait3A_148 = tpu.memref_slice %arg15[%multiple_of3A_132, %dma_wait3A_147] : memref<10000x128xf32, #tpu.memory_space<vmem_shared>> -> memref<40x128xf32, #tpu.memory_space<vmem_shared>>
        %dma_wait3A_149 = arith.constant 0 : i32
        %dma_wait3A_150 = tpu.memref_slice %arg15[%multiple_of3A_132, %dma_wait3A_149] : memref<10000x128xf32, #tpu.memory_space<vmem_shared>> -> memref<40x128xf32, #tpu.memory_space<vmem_shared>>
        %dma_wait3A_151 = arith.constant 0 : i32
        %dma_wait3A_152 = arith.constant 0 : i32
        %dma_wait3A_153 = tpu.memref_slice %arg11[%dma_wait3A_151, %dma_wait3A_152] : memref<80x128xf32, #tpu.memory_space<vmem>> -> memref<40x128xf32, #tpu.memory_space<vmem>>
        tpu.wait_dma2 semaphore(%run_scoped3A : memref<!tpu.dma_semaphore, #tpu.memory_space<semaphore_mem>>) src(%dma_wait3A_153 : memref<40x128xf32, #tpu.memory_space<vmem>>) dst(%dma_wait3A_150 : memref<40x128xf32, #tpu.memory_space<vmem_shared>>)
        tpu.yield
      }) : () -> ()
      %while3A_133 = arith.constant 0 : i32
      scf.yield %while3A_133 : i32
    }
    %while3A_22 = arith.constant 1 : i32
    %while3A_23 = scf.for %while3A_127 = %while3A_19 to %while3A_15 step %while3A_22 iter_args(%while3A_128 = %while3A_21) -> (i32)  : i32 {
      %add3A_129 = arith.addi %add3A, %while3A_127 : i32
      %mul3A_130 = arith.constant 40 : i32
      %mul3A_131 = arith.muli %add3A_129, %mul3A_130 : i32
      %multiple_of3A_132 = tpu.assume_multiple %mul3A_131, 8 : i32
      "tpu.region"() ({
        %run_scoped3A = tpu.sem_alloc : memref<!tpu.dma_semaphore, #tpu.memory_space<semaphore_mem>>
        %dma_start3A_134 = arith.constant 0 : i32
        %dma_start3A_135 = arith.constant 0 : i32
        %dma_start3A_136 = tpu.memref_slice %arg11[%dma_start3A_134, %dma_start3A_135] : memref<80x128xf32, #tpu.memory_space<vmem>> -> memref<40x128xf32, #tpu.memory_space<vmem>>
        %dma_start3A_137 = arith.constant 0 : i32
        %dma_start3A_138 = tpu.memref_slice %arg15[%multiple_of3A_132, %dma_start3A_137] : memref<10000x128xf32, #tpu.memory_space<vmem_shared>> -> memref<40x128xf32, #tpu.memory_space<vmem_shared>>
        %dma_start3A_139 = arith.constant 0 : i32
        %dma_start3A_140 = tpu.memref_slice %arg15[%multiple_of3A_132, %dma_start3A_139] : memref<10000x128xf32, #tpu.memory_space<vmem_shared>> -> memref<40x128xf32, #tpu.memory_space<vmem_shared>>
        %dma_start3A_141 = arith.constant 0 : i32
        %dma_start3A_142 = arith.constant 0 : i32
        %dma_start3A_143 = tpu.memref_slice %arg11[%dma_start3A_141, %dma_start3A_142] : memref<80x128xf32, #tpu.memory_space<vmem>> -> memref<40x128xf32, #tpu.memory_space<vmem>>
        tpu.enqueue_dma source(%dma_start3A_143 : memref<40x128xf32, #tpu.memory_space<vmem>>) target(%dma_start3A_140 : memref<40x128xf32, #tpu.memory_space<vmem_shared>>) target_semaphore(%run_scoped3A : memref<!tpu.dma_semaphore, #tpu.memory_space<semaphore_mem>>)
        %dma_wait3A_144 = arith.constant 0 : i32
        %dma_wait3A_145 = arith.constant 0 : i32
        %dma_wait3A_146 = tpu.memref_slice %arg11[%dma_wait3A_144, %dma_wait3A_145] : memref<80x128xf32, #tpu.memory_space<vmem>> -> memref<40x128xf32, #tpu.memory_space<vmem>>
        %dma_wait3A_147 = arith.constant 0 : i32
        %dma_wait3A_148 = tpu.memref_slice %arg15[%multiple_of3A_132, %dma_wait3A_147] : memref<10000x128xf32, #tpu.memory_space<vmem_shared>> -> memref<40x128xf32, #tpu.memory_space<vmem_shared>>
        %dma_wait3A_149 = arith.constant 0 : i32
        %dma_wait3A_150 = tpu.memref_slice %arg15[%multiple_of3A_132, %dma_wait3A_149] : memref<10000x128xf32, #tpu.memory_space<vmem_shared>> -> memref<40x128xf32, #tpu.memory_space<vmem_shared>>
        %dma_wait3A_151 = arith.constant 0 : i32
        %dma_wait3A_152 = arith.constant 0 : i32
        %dma_wait3A_153 = tpu.memref_slice %arg11[%dma_wait3A_151, %dma_wait3A_152] : memref<80x128xf32, #tpu.memory_space<vmem>> -> memref<40x128xf32, #tpu.memory_space<vmem>>
        tpu.wait_dma2 semaphore(%run_scoped3A : memref<!tpu.dma_semaphore, #tpu.memory_space<semaphore_mem>>) src(%dma_wait3A_153 : memref<40x128xf32, #tpu.memory_space<vmem>>) dst(%dma_wait3A_150 : memref<40x128xf32, #tpu.memory_space<vmem_shared>>)
        tpu.yield
      }) : () -> ()
      %while3A_133 = arith.constant 0 : i32
      scf.yield %while3A_133 : i32
    }
    %barrier3A = arith.constant 0 : index
    tpu.barrier barrier_id(%barrier3A)
    %mul3A_24 = arith.constant 62 : i32
    %mul3A_25 = arith.muli %arg1, %mul3A_24 : i32
    %min3A_26 = arith.constant 8 : i32
    %min3A_27 = arith.minsi %arg1, %min3A_26 : i32
    %add3A_28 = arith.addi %mul3A_25, %min3A_27 : i32
    %mul3A_29 = arith.constant 2 : i32
    %mul3A_30 = arith.muli %add3A_28, %mul3A_29 : i32
    %lt3A_31 = arith.constant 8 : i32
    %lt3A_32 = arith.cmpi slt, %arg1, %lt3A_31 : i32
    %jit3A_33 = arith.constant 63 : i32
    %jit3A_34 = arith.constant 62 : i32
    %select_n3A_35 = arith.select %lt3A_32, %jit3A_33, %jit3A_34 : i32
    %mul3A_36 = arith.constant 2 : i32
    %mul3A_37 = arith.muli %select_n3A_35, %mul3A_36 : i32
    %add3A_38 = arith.constant 0 : i32
    %add3A_39 = arith.addi %mul3A_30, %add3A_38 : i32
    %mul3A_40 = arith.constant 80 : i32
    %mul3A_41 = arith.muli %add3A_39, %mul3A_40 : i32
    %multiple_of3A_42 = tpu.assume_multiple %mul3A_41, 8 : i32
    %dma_start3A = tpu.memref_slice %arg4[%multiple_of3A_42] : memref<160000xi32, #tpu.memory_space<hbm>> -> memref<80xi32, #tpu.memory_space<hbm>>
    %dma_start3A_43 = tpu.memref_slice %arg4[%multiple_of3A_42] : memref<160000xi32, #tpu.memory_space<hbm>> -> memref<80xi32, #tpu.memory_space<hbm>>
    tpu.enqueue_dma source(%dma_start3A_43 : memref<80xi32, #tpu.memory_space<hbm>>) target(%arg7 : memref<80xi32, #tpu.memory_space<vmem>>) target_semaphore(%arg16 : memref<!tpu.dma_semaphore, #tpu.memory_space<semaphore_mem>>)
    %dma_start3A_44 = tpu.memref_slice %arg5[%multiple_of3A_42] : memref<160000xi32, #tpu.memory_space<hbm>> -> memref<80xi32, #tpu.memory_space<hbm>>
    %dma_start3A_45 = tpu.memref_slice %arg5[%multiple_of3A_42] : memref<160000xi32, #tpu.memory_space<hbm>> -> memref<80xi32, #tpu.memory_space<hbm>>
    tpu.enqueue_dma source(%dma_start3A_45 : memref<80xi32, #tpu.memory_space<hbm>>) target(%arg9 : memref<80xi32, #tpu.memory_space<vmem>>) target_semaphore(%arg16 : memref<!tpu.dma_semaphore, #tpu.memory_space<semaphore_mem>>)
    %add3A_46 = arith.constant 1 : i32
    %add3A_47 = arith.addi %mul3A_30, %add3A_46 : i32
    %mul3A_48 = arith.constant 80 : i32
    %mul3A_49 = arith.muli %add3A_47, %mul3A_48 : i32
    %multiple_of3A_50 = tpu.assume_multiple %mul3A_49, 8 : i32
    %dma_start3A_51 = tpu.memref_slice %arg4[%multiple_of3A_50] : memref<160000xi32, #tpu.memory_space<hbm>> -> memref<80xi32, #tpu.memory_space<hbm>>
    %dma_start3A_52 = tpu.memref_slice %arg4[%multiple_of3A_50] : memref<160000xi32, #tpu.memory_space<hbm>> -> memref<80xi32, #tpu.memory_space<hbm>>
    tpu.enqueue_dma source(%dma_start3A_52 : memref<80xi32, #tpu.memory_space<hbm>>) target(%arg8 : memref<80xi32, #tpu.memory_space<vmem>>) target_semaphore(%arg16 : memref<!tpu.dma_semaphore, #tpu.memory_space<semaphore_mem>>)
    %dma_start3A_53 = tpu.memref_slice %arg5[%multiple_of3A_50] : memref<160000xi32, #tpu.memory_space<hbm>> -> memref<80xi32, #tpu.memory_space<hbm>>
    %dma_start3A_54 = tpu.memref_slice %arg5[%multiple_of3A_50] : memref<160000xi32, #tpu.memory_space<hbm>> -> memref<80xi32, #tpu.memory_space<hbm>>
    tpu.enqueue_dma source(%dma_start3A_54 : memref<80xi32, #tpu.memory_space<hbm>>) target(%arg10 : memref<80xi32, #tpu.memory_space<vmem>>) target_semaphore(%arg16 : memref<!tpu.dma_semaphore, #tpu.memory_space<semaphore_mem>>)
    %add3A_55 = arith.constant 0 : i32
    %add3A_56 = arith.addi %mul3A_30, %add3A_55 : i32
    %mul3A_57 = arith.constant 80 : i32
    %mul3A_58 = arith.muli %add3A_56, %mul3A_57 : i32
    %multiple_of3A_59 = tpu.assume_multiple %mul3A_58, 8 : i32
    %dma_start3A_60 = tpu.memref_slice %arg3[%multiple_of3A_59, %multiple_of3A] : memref<160000x256xf32, #tpu.memory_space<hbm>> -> memref<80x128xf32, #tpu.memory_space<hbm>>
    %dma_start3A_61 = tpu.memref_slice %arg3[%multiple_of3A_59, %multiple_of3A] : memref<160000x256xf32, #tpu.memory_space<hbm>> -> memref<80x128xf32, #tpu.memory_space<hbm>>
    tpu.enqueue_dma source(%dma_start3A_61 : memref<80x128xf32, #tpu.memory_space<hbm>>) target(%arg11 : memref<80x128xf32, #tpu.memory_space<vmem>>) target_semaphore(%arg17 : memref<!tpu.dma_semaphore, #tpu.memory_space<semaphore_mem>>)
    %add3A_62 = arith.constant 1 : i32
    %add3A_63 = arith.addi %mul3A_30, %add3A_62 : i32
    %mul3A_64 = arith.constant 80 : i32
    %mul3A_65 = arith.muli %add3A_63, %mul3A_64 : i32
    %multiple_of3A_66 = tpu.assume_multiple %mul3A_65, 8 : i32
    %dma_start3A_67 = tpu.memref_slice %arg3[%multiple_of3A_66, %multiple_of3A] : memref<160000x256xf32, #tpu.memory_space<hbm>> -> memref<80x128xf32, #tpu.memory_space<hbm>>
    %dma_start3A_68 = tpu.memref_slice %arg3[%multiple_of3A_66, %multiple_of3A] : memref<160000x256xf32, #tpu.memory_space<hbm>> -> memref<80x128xf32, #tpu.memory_space<hbm>>
    tpu.enqueue_dma source(%dma_start3A_68 : memref<80x128xf32, #tpu.memory_space<hbm>>) target(%arg12 : memref<80x128xf32, #tpu.memory_space<vmem>>) target_semaphore(%arg17 : memref<!tpu.dma_semaphore, #tpu.memory_space<semaphore_mem>>)
    %dma_wait3A = arith.constant 0 : i32
    %dma_wait3A_69 = tpu.memref_slice %arg4[%dma_wait3A] : memref<160000xi32, #tpu.memory_space<hbm>> -> memref<80xi32, #tpu.memory_space<hbm>>
    %dma_wait3A_70 = arith.constant 0 : i32
    %dma_wait3A_71 = tpu.memref_slice %arg4[%dma_wait3A_70] : memref<160000xi32, #tpu.memory_space<hbm>> -> memref<80xi32, #tpu.memory_space<hbm>>
    tpu.wait_dma2 semaphore(%arg16 : memref<!tpu.dma_semaphore, #tpu.memory_space<semaphore_mem>>) src(%dma_wait3A_71 : memref<80xi32, #tpu.memory_space<hbm>>) dst(%arg7 : memref<80xi32, #tpu.memory_space<vmem>>)
    %dma_wait3A_72 = arith.constant 0 : i32
    %dma_wait3A_73 = tpu.memref_slice %arg5[%dma_wait3A_72] : memref<160000xi32, #tpu.memory_space<hbm>> -> memref<80xi32, #tpu.memory_space<hbm>>
    %dma_wait3A_74 = arith.constant 0 : i32
    %dma_wait3A_75 = tpu.memref_slice %arg5[%dma_wait3A_74] : memref<160000xi32, #tpu.memory_space<hbm>> -> memref<80xi32, #tpu.memory_space<hbm>>
    tpu.wait_dma2 semaphore(%arg16 : memref<!tpu.dma_semaphore, #tpu.memory_space<semaphore_mem>>) src(%dma_wait3A_75 : memref<80xi32, #tpu.memory_space<hbm>>) dst(%arg9 : memref<80xi32, #tpu.memory_space<vmem>>)
    %scan3A_76 = arith.constant 0 : i32
    %scan3A_77 = arith.constant 0 : i32
    %scan3A_78 = arith.constant 5 : i32
    %scan3A_79 = arith.addi %scan3A_77, %scan3A_78 : i32
    %scan3A_80 = arith.constant 1 : i32
    %scan3A_81 = scf.for %scan3A_127 = %scan3A_77 to %scan3A_79 step %scan3A_80 iter_args(%scan3A_128 = %scan3A_76) -> (i32)  : i32 {
      %mul3A_129 = arith.constant 16 : i32
      %mul3A_130 = arith.muli %scan3A_127, %mul3A_129 : i32
      %get3A = arith.index_cast %mul3A_130 : i32 to index
      %get3A_131 = tpu.vector_load %arg7[%get3A] {strides = array<i32>} : memref<80xi32, #tpu.memory_space<vmem>>, vector<16xi32>,
      %get3A_132 = vector.shape_cast %get3A_131 : vector<16xi32> to vector<16xi32>
      %mul3A_133 = arith.constant 2 : i32
      %mul3A_134 = vector.broadcast %mul3A_133 : i32 to vector<16xi32>
      %mul3A_135 = arith.muli %get3A_132, %mul3A_134 : vector<16xi32>
      %add3A_136 = vector.broadcast %arg0 : i32 to vector<16xi32>
      %add3A_137 = arith.addi %mul3A_135, %add3A_136 : vector<16xi32>
      %mul3A_138 = arith.constant 16 : i32
      %mul3A_139 = arith.muli %scan3A_127, %mul3A_138 : i32
      %swap3A = arith.index_cast %mul3A_139 : i32 to index
      %swap3A_140 = tpu.vector_load %arg7[%swap3A] {strides = array<i32>} : memref<80xi32, #tpu.memory_space<vmem>>, vector<16xi32>,
      %swap3A_141 = vector.shape_cast %swap3A_140 : vector<16xi32> to vector<16xi32>
      %swap3A_142 = vector.shape_cast %add3A_137 : vector<16xi32> to vector<16xi32>
      tpu.vector_store %arg7[%swap3A], %swap3A_142 {strides = array<i32>} : memref<80xi32, #tpu.memory_space<vmem>>, vector<16xi32>,
      %scan3A_143 = arith.constant 0 : i32
      scf.yield %scan3A_143 : i32
    }
    %scan3A_82 = arith.constant 5 : i32
    %dma_start3A_83 = arith.constant 0 : i32
    %dma_start3A_84 = arith.constant 0 : i32
    %dma_start3A_85 = tpu.memref_slice %arg2[%dma_start3A_83, %dma_start3A_84] : memref<20000x128xf32, #tpu.memory_space<hbm>> -> memref<20000x128xf32, #tpu.memory_space<hbm>>
    tpu.enqueue_indirect_dma source(%dma_start3A_85 : memref<20000x128xf32, #tpu.memory_space<hbm>>) target(%arg13 : memref<80x128xf32, #tpu.memory_space<vmem>>) offsets(%arg7 : memref<80xi32, #tpu.memory_space<vmem>>) semaphore(%arg18 : memref<!tpu.dma_semaphore, #tpu.memory_space<semaphore_mem>>)
    %jit3A_86 = arith.constant 2 : i32
    %div3A = arith.divsi %mul3A_37, %jit3A_86 : i32
    %sign3A = arith.constant 0 : i32
    %sign3A_87 = arith.cmpi sgt, %mul3A_37, %sign3A : i32
    %sign3A_88 = arith.extui %sign3A_87 : i1 to i32
    %sign3A_89 = arith.constant 0 : i32
    %sign3A_90 = arith.cmpi slt, %mul3A_37, %sign3A_89 : i32
    %sign3A_91 = arith.extui %sign3A_90 : i1 to i32
    %sign3A_92 = arith.subi %sign3A_88, %sign3A_91 : i32
    %sign3A_93 = arith.constant 0 : i32
    %sign3A_94 = arith.cmpi sgt, %jit3A_86, %sign3A_93 : i32
    %sign3A_95 = arith.extui %sign3A_94 : i1 to i32
    %sign3A_96 = arith.constant 0 : i32
    %sign3A_97 = arith.cmpi slt, %jit3A_86, %sign3A_96 : i32
    %sign3A_98 = arith.extui %sign3A_97 : i1 to i32
    %sign3A_99 = arith.subi %sign3A_95, %sign3A_98 : i32
    %ne3A = arith.cmpi ne, %sign3A_92, %sign3A_99 : i32
    %rem3A = arith.remsi %mul3A_37, %jit3A_86 : i32
    %ne3A_100 = arith.constant 0 : i32
    %ne3A_101 = arith.cmpi ne, %rem3A, %ne3A_100 : i32
    %and3A = arith.andi %ne3A, %ne3A_101 : i1
    %sub3A = arith.constant 1 : i32
    %sub3A_102 = arith.subi %div3A, %sub3A : i32
    %select_n3A_103 = arith.select %and3A, %sub3A_102, %div3A : i32
    %while3A_104 = arith.constant 0 : i32
    %while3A_105 = arith.constant 0 : i32
    %while3A_106 = arith.subi %select_n3A_103, %while3A_104 : i32
    %while3A_107 = arith.addi %while3A_104, %while3A_106 : i32
    %while3A_108 = arith.constant 1 : i32
    %while3A_109 = arith.divsi %while3A_106, %while3A_108 : i32
    %while3A_110 = arith.muli %while3A_109, %while3A_108 : i32
    %while3A_111 = arith.addi %while3A_104, %while3A_110 : i32
    %while3A_112 = arith.constant 1 : i32
    %while3A_113 = scf.for %while3A_127 = %while3A_104 to %while3A_111 step %while3A_112 iter_args(%while3A_128 = %while3A_105) -> (i32)  : i32 {
      %mul3A_129 = arith.constant 2 : i32
      %mul3A_130 = arith.muli %mul3A_129, %while3A_127 : i32
      %add3A_131 = arith.constant 0 : i32
      %add3A_132 = arith.addi %mul3A_130, %add3A_131 : i32
      %add3A_133 = arith.constant 1 : i32
      %add3A_134 = arith.addi %add3A_132, %add3A_133 : i32
      %lt3A_135 = arith.cmpi slt, %add3A_134, %mul3A_37 : i32
      %convert_element_type3A_136 = arith.extui %lt3A_135 : i1 to i32
      %cond3A_137 = arith.constant 0 : i32
      %cond3A_138 = arith.cmpi ne, %convert_element_type3A_136, %cond3A_137 : i32
      scf.if %cond3A_138 {
        %dma_wait3A_204 = arith.constant 0 : i32
        %dma_wait3A_205 = tpu.memref_slice %arg4[%dma_wait3A_204] : memref<160000xi32, #tpu.memory_space<hbm>> -> memref<80xi32, #tpu.memory_space<hbm>>
        %dma_wait3A_206 = arith.constant 0 : i32
        %dma_wait3A_207 = tpu.memref_slice %arg4[%dma_wait3A_206] : memref<160000xi32, #tpu.memory_space<hbm>> -> memref<80xi32, #tpu.memory_space<hbm>>
        tpu.wait_dma2 semaphore(%arg16 : memref<!tpu.dma_semaphore, #tpu.memory_space<semaphore_mem>>) src(%dma_wait3A_207 : memref<80xi32, #tpu.memory_space<hbm>>) dst(%arg8 : memref<80xi32, #tpu.memory_space<vmem>>)
        %dma_wait3A_208 = arith.constant 0 : i32
        %dma_wait3A_209 = tpu.memref_slice %arg5[%dma_wait3A_208] : memref<160000xi32, #tpu.memory_space<hbm>> -> memref<80xi32, #tpu.memory_space<hbm>>
        %dma_wait3A_210 = arith.constant 0 : i32
        %dma_wait3A_211 = tpu.memref_slice %arg5[%dma_wait3A_210] : memref<160000xi32, #tpu.memory_space<hbm>> -> memref<80xi32, #tpu.memory_space<hbm>>
        tpu.wait_dma2 semaphore(%arg16 : memref<!tpu.dma_semaphore, #tpu.memory_space<semaphore_mem>>) src(%dma_wait3A_211 : memref<80xi32, #tpu.memory_space<hbm>>) dst(%arg10 : memref<80xi32, #tpu.memory_space<vmem>>)
        %scan3A_212 = arith.constant 0 : i32
        %scan3A_213 = arith.constant 0 : i32
        %scan3A_214 = arith.constant 5 : i32
        %scan3A_215 = arith.addi %scan3A_213, %scan3A_214 : i32
        %scan3A_216 = arith.constant 1 : i32
        %scan3A_217 = scf.for %scan3A_222 = %scan3A_213 to %scan3A_215 step %scan3A_216 iter_args(%scan3A_223 = %scan3A_212) -> (i32)  : i32 {
          %mul3A_224 = arith.constant 16 : i32
          %mul3A_225 = arith.muli %scan3A_222, %mul3A_224 : i32
          %get3A = arith.index_cast %mul3A_225 : i32 to index
          %get3A_226 = tpu.vector_load %arg8[%get3A] {strides = array<i32>} : memref<80xi32, #tpu.memory_space<vmem>>, vector<16xi32>,
          %get3A_227 = vector.shape_cast %get3A_226 : vector<16xi32> to vector<16xi32>
          %mul3A_228 = arith.constant 2 : i32
          %mul3A_229 = vector.broadcast %mul3A_228 : i32 to vector<16xi32>
          %mul3A_230 = arith.muli %get3A_227, %mul3A_229 : vector<16xi32>
          %add3A_231 = vector.broadcast %arg0 : i32 to vector<16xi32>
          %add3A_232 = arith.addi %mul3A_230, %add3A_231 : vector<16xi32>
          %mul3A_233 = arith.constant 16 : i32
          %mul3A_234 = arith.muli %scan3A_222, %mul3A_233 : i32
          %swap3A = arith.index_cast %mul3A_234 : i32 to index
          %swap3A_235 = tpu.vector_load %arg8[%swap3A] {strides = array<i32>} : memref<80xi32, #tpu.memory_space<vmem>>, vector<16xi32>,
          %swap3A_236 = vector.shape_cast %swap3A_235 : vector<16xi32> to vector<16xi32>
          %swap3A_237 = vector.shape_cast %add3A_232 : vector<16xi32> to vector<16xi32>
          tpu.vector_store %arg8[%swap3A], %swap3A_237 {strides = array<i32>} : memref<80xi32, #tpu.memory_space<vmem>>, vector<16xi32>,
          %scan3A_238 = arith.constant 0 : i32
          scf.yield %scan3A_238 : i32
        }
        %scan3A_218 = arith.constant 5 : i32
        %dma_start3A_219 = arith.constant 0 : i32
        %dma_start3A_220 = arith.constant 0 : i32
        %dma_start3A_221 = tpu.memref_slice %arg2[%dma_start3A_219, %dma_start3A_220] : memref<20000x128xf32, #tpu.memory_space<hbm>> -> memref<20000x128xf32, #tpu.memory_space<hbm>>
        tpu.enqueue_indirect_dma source(%dma_start3A_221 : memref<20000x128xf32, #tpu.memory_space<hbm>>) target(%arg14 : memref<80x128xf32, #tpu.memory_space<vmem>>) offsets(%arg8 : memref<80xi32, #tpu.memory_space<vmem>>) semaphore(%arg18 : memref<!tpu.dma_semaphore, #tpu.memory_space<semaphore_mem>>)
      } else {
      }
      %dma_wait3A_139 = arith.constant 0 : i32
      %dma_wait3A_140 = arith.constant 0 : i32
      %dma_wait3A_141 = tpu.memref_slice %arg3[%dma_wait3A_139, %dma_wait3A_140] : memref<160000x256xf32, #tpu.memory_space<hbm>> -> memref<80x128xf32, #tpu.memory_space<hbm>>
      %dma_wait3A_142 = arith.constant 0 : i32
      %dma_wait3A_143 = arith.constant 0 : i32
      %dma_wait3A_144 = tpu.memref_slice %arg3[%dma_wait3A_142, %dma_wait3A_143] : memref<160000x256xf32, #tpu.memory_space<hbm>> -> memref<80x128xf32, #tpu.memory_space<hbm>>
      tpu.wait_dma2 semaphore(%arg17 : memref<!tpu.dma_semaphore, #tpu.memory_space<semaphore_mem>>) src(%dma_wait3A_144 : memref<80x128xf32, #tpu.memory_space<hbm>>) dst(%arg11 : memref<80x128xf32, #tpu.memory_space<vmem>>)
      %dma_wait3A_145 = arith.constant 0 : i32
      %dma_wait3A_146 = arith.constant 0 : i32
      %dma_wait3A_147 = tpu.memref_slice %arg2[%dma_wait3A_145, %dma_wait3A_146] : memref<20000x128xf32, #tpu.memory_space<hbm>> -> memref<80x128xf32, #tpu.memory_space<hbm>>
      %dma_wait3A_148 = arith.constant 0 : i32
      %dma_wait3A_149 = arith.constant 0 : i32
      %dma_wait3A_150 = tpu.memref_slice %arg2[%dma_wait3A_148, %dma_wait3A_149] : memref<20000x128xf32, #tpu.memory_space<hbm>> -> memref<80x128xf32, #tpu.memory_space<hbm>>
      tpu.wait_dma2 semaphore(%arg18 : memref<!tpu.dma_semaphore, #tpu.memory_space<semaphore_mem>>) src(%dma_wait3A_150 : memref<80x128xf32, #tpu.memory_space<hbm>>) dst(%arg13 : memref<80x128xf32, #tpu.memory_space<vmem>>)
      %dma_start3A_151 = arith.constant 0 : i32
      %dma_start3A_152 = arith.constant 0 : i32
      %dma_start3A_153 = tpu.memref_slice %arg15[%dma_start3A_151, %dma_start3A_152] : memref<10000x128xf32, #tpu.memory_space<vmem_shared>> -> memref<10000x128xf32, #tpu.memory_space<vmem_shared>>
      tpu.enqueue_indirect_dma source(%arg11 : memref<80x128xf32, #tpu.memory_space<vmem>>) target(%dma_start3A_153 : memref<10000x128xf32, #tpu.memory_space<vmem_shared>>) offsets(%arg9 : memref<80xi32, #tpu.memory_space<vmem>>) semaphore(%arg19 : memref<!tpu.dma_semaphore, #tpu.memory_space<semaphore_mem>>) {add = true}
      "tpu.region"() ({
        %run_scoped3A = tpu.sem_alloc : memref<!tpu.dma_semaphore, #tpu.memory_space<semaphore_mem>>
        %dma_start3A_204 = arith.constant 0 : i32
        %dma_start3A_205 = arith.constant 0 : i32
        %dma_start3A_206 = tpu.memref_slice %arg15[%dma_start3A_204, %dma_start3A_205] : memref<10000x128xf32, #tpu.memory_space<vmem_shared>> -> memref<10000x128xf32, #tpu.memory_space<vmem_shared>>
        tpu.enqueue_indirect_dma source(%arg13 : memref<80x128xf32, #tpu.memory_space<vmem>>) target(%dma_start3A_206 : memref<10000x128xf32, #tpu.memory_space<vmem_shared>>) offsets(%arg9 : memref<80xi32, #tpu.memory_space<vmem>>) semaphore(%run_scoped3A : memref<!tpu.dma_semaphore, #tpu.memory_space<semaphore_mem>>) {add = true}
        %dma_wait3A_207 = arith.constant 0 : i32
        %dma_wait3A_208 = arith.constant 0 : i32
        %dma_wait3A_209 = tpu.memref_slice %arg15[%dma_wait3A_207, %dma_wait3A_208] : memref<10000x128xf32, #tpu.memory_space<vmem_shared>> -> memref<10000x128xf32, #tpu.memory_space<vmem_shared>>
        tpu.wait_indirect_dma semaphore(%run_scoped3A : memref<!tpu.dma_semaphore, #tpu.memory_space<semaphore_mem>>) src(%arg13 : memref<80x128xf32, #tpu.memory_space<vmem>>) dst(%dma_wait3A_209 : memref<10000x128xf32, #tpu.memory_space<vmem_shared>>)
        tpu.yield
      }) : () -> ()
      %dma_wait3A_154 = arith.constant 0 : i32
      %dma_wait3A_155 = arith.constant 0 : i32
      %dma_wait3A_156 = tpu.memref_slice %arg15[%dma_wait3A_154, %dma_wait3A_155] : memref<10000x128xf32, #tpu.memory_space<vmem_shared>> -> memref<80x128xf32, #tpu.memory_space<vmem_shared>>
      %dma_wait3A_157 = arith.constant 0 : i32
      %dma_wait3A_158 = arith.constant 0 : i32
      %dma_wait3A_159 = tpu.memref_slice %arg15[%dma_wait3A_157, %dma_wait3A_158] : memref<10000x128xf32, #tpu.memory_space<vmem_shared>> -> memref<80x128xf32, #tpu.memory_space<vmem_shared>>
      tpu.wait_dma2 semaphore(%arg19 : memref<!tpu.dma_semaphore, #tpu.memory_space<semaphore_mem>>) src(%arg11 : memref<80x128xf32, #tpu.memory_space<vmem>>) dst(%dma_wait3A_159 : memref<80x128xf32, #tpu.memory_space<vmem_shared>>)
      %add3A_160 = arith.constant 2 : i32
      %add3A_161 = arith.addi %add3A_132, %add3A_160 : i32
      %lt3A_162 = arith.cmpi slt, %add3A_161, %mul3A_37 : i32
      %convert_element_type3A_163 = arith.extui %lt3A_162 : i1 to i32
      %cond3A_164 = arith.constant 0 : i32
      %cond3A_165 = arith.cmpi ne, %convert_element_type3A_163, %cond3A_164 : i32
      scf.if %cond3A_165 {
        %add3A_204 = arith.constant 2 : i32
        %add3A_205 = arith.addi %add3A_132, %add3A_204 : i32
        %add3A_206 = arith.addi %mul3A_30, %add3A_205 : i32
        %mul3A_207 = arith.constant 80 : i32
        %mul3A_208 = arith.muli %add3A_206, %mul3A_207 : i32
        %multiple_of3A_209 = tpu.assume_multiple %mul3A_208, 8 : i32
        %dma_start3A_210 = tpu.memref_slice %arg4[%multiple_of3A_209] : memref<160000xi32, #tpu.memory_space<hbm>> -> memref<80xi32, #tpu.memory_space<hbm>>
        %dma_start3A_211 = tpu.memref_slice %arg4[%multiple_of3A_209] : memref<160000xi32, #tpu.memory_space<hbm>> -> memref<80xi32, #tpu.memory_space<hbm>>
        tpu.enqueue_dma source(%dma_start3A_211 : memref<80xi32, #tpu.memory_space<hbm>>) target(%arg7 : memref<80xi32, #tpu.memory_space<vmem>>) target_semaphore(%arg16 : memref<!tpu.dma_semaphore, #tpu.memory_space<semaphore_mem>>)
        %dma_start3A_212 = tpu.memref_slice %arg5[%multiple_of3A_209] : memref<160000xi32, #tpu.memory_space<hbm>> -> memref<80xi32, #tpu.memory_space<hbm>>
        %dma_start3A_213 = tpu.memref_slice %arg5[%multiple_of3A_209] : memref<160000xi32, #tpu.memory_space<hbm>> -> memref<80xi32, #tpu.memory_space<hbm>>
        tpu.enqueue_dma source(%dma_start3A_213 : memref<80xi32, #tpu.memory_space<hbm>>) target(%arg9 : memref<80xi32, #tpu.memory_space<vmem>>) target_semaphore(%arg16 : memref<!tpu.dma_semaphore, #tpu.memory_space<semaphore_mem>>)
        %add3A_214 = arith.constant 2 : i32
        %add3A_215 = arith.addi %add3A_132, %add3A_214 : i32
        %add3A_216 = arith.addi %mul3A_30, %add3A_215 : i32
        %mul3A_217 = arith.constant 80 : i32
        %mul3A_218 = arith.muli %add3A_216, %mul3A_217 : i32
        %multiple_of3A_219 = tpu.assume_multiple %mul3A_218, 8 : i32
        %dma_start3A_220 = tpu.memref_slice %arg3[%multiple_of3A_219, %multiple_of3A] : memref<160000x256xf32, #tpu.memory_space<hbm>> -> memref<80x128xf32, #tpu.memory_space<hbm>>
        %dma_start3A_221 = tpu.memref_slice %arg3[%multiple_of3A_219, %multiple_of3A] : memref<160000x256xf32, #tpu.memory_space<hbm>> -> memref<80x128xf32, #tpu.memory_space<hbm>>
        tpu.enqueue_dma source(%dma_start3A_221 : memref<80x128xf32, #tpu.memory_space<hbm>>) target(%arg11 : memref<80x128xf32, #tpu.memory_space<vmem>>) target_semaphore(%arg17 : memref<!tpu.dma_semaphore, #tpu.memory_space<semaphore_mem>>)
      } else {
      }
      %mul3A_166 = arith.constant 2 : i32
      %mul3A_167 = arith.muli %mul3A_166, %while3A_127 : i32
      %add3A_168 = arith.constant 1 : i32
      %add3A_169 = arith.addi %mul3A_167, %add3A_168 : i32
      %add3A_170 = arith.constant 1 : i32
      %add3A_171 = arith.addi %add3A_169, %add3A_170 : i32
      %lt3A_172 = arith.cmpi slt, %add3A_171, %mul3A_37 : i32
      %convert_element_type3A_173 = arith.extui %lt3A_172 : i1 to i32
      %cond3A_174 = arith.constant 0 : i32
      %cond3A_175 = arith.cmpi ne, %convert_element_type3A_173, %cond3A_174 : i32
      scf.if %cond3A_175 {
        %dma_wait3A_204 = arith.constant 0 : i32
        %dma_wait3A_205 = tpu.memref_slice %arg4[%dma_wait3A_204] : memref<160000xi32, #tpu.memory_space<hbm>> -> memref<80xi32, #tpu.memory_space<hbm>>
        %dma_wait3A_206 = arith.constant 0 : i32
        %dma_wait3A_207 = tpu.memref_slice %arg4[%dma_wait3A_206] : memref<160000xi32, #tpu.memory_space<hbm>> -> memref<80xi32, #tpu.memory_space<hbm>>
        tpu.wait_dma2 semaphore(%arg16 : memref<!tpu.dma_semaphore, #tpu.memory_space<semaphore_mem>>) src(%dma_wait3A_207 : memref<80xi32, #tpu.memory_space<hbm>>) dst(%arg7 : memref<80xi32, #tpu.memory_space<vmem>>)
        %dma_wait3A_208 = arith.constant 0 : i32
        %dma_wait3A_209 = tpu.memref_slice %arg5[%dma_wait3A_208] : memref<160000xi32, #tpu.memory_space<hbm>> -> memref<80xi32, #tpu.memory_space<hbm>>
        %dma_wait3A_210 = arith.constant 0 : i32
        %dma_wait3A_211 = tpu.memref_slice %arg5[%dma_wait3A_210] : memref<160000xi32, #tpu.memory_space<hbm>> -> memref<80xi32, #tpu.memory_space<hbm>>
        tpu.wait_dma2 semaphore(%arg16 : memref<!tpu.dma_semaphore, #tpu.memory_space<semaphore_mem>>) src(%dma_wait3A_211 : memref<80xi32, #tpu.memory_space<hbm>>) dst(%arg9 : memref<80xi32, #tpu.memory_space<vmem>>)
        %scan3A_212 = arith.constant 0 : i32
        %scan3A_213 = arith.constant 0 : i32
        %scan3A_214 = arith.constant 5 : i32
        %scan3A_215 = arith.addi %scan3A_213, %scan3A_214 : i32
        %scan3A_216 = arith.constant 1 : i32
        %scan3A_217 = scf.for %scan3A_222 = %scan3A_213 to %scan3A_215 step %scan3A_216 iter_args(%scan3A_223 = %scan3A_212) -> (i32)  : i32 {
          %mul3A_224 = arith.constant 16 : i32
          %mul3A_225 = arith.muli %scan3A_222, %mul3A_224 : i32
          %get3A = arith.index_cast %mul3A_225 : i32 to index
          %get3A_226 = tpu.vector_load %arg7[%get3A] {strides = array<i32>} : memref<80xi32, #tpu.memory_space<vmem>>, vector<16xi32>,
          %get3A_227 = vector.shape_cast %get3A_226 : vector<16xi32> to vector<16xi32>
          %mul3A_228 = arith.constant 2 : i32
          %mul3A_229 = vector.broadcast %mul3A_228 : i32 to vector<16xi32>
          %mul3A_230 = arith.muli %get3A_227, %mul3A_229 : vector<16xi32>
          %add3A_231 = vector.broadcast %arg0 : i32 to vector<16xi32>
          %add3A_232 = arith.addi %mul3A_230, %add3A_231 : vector<16xi32>
          %mul3A_233 = arith.constant 16 : i32
          %mul3A_234 = arith.muli %scan3A_222, %mul3A_233 : i32
          %swap3A = arith.index_cast %mul3A_234 : i32 to index
          %swap3A_235 = tpu.vector_load %arg7[%swap3A] {strides = array<i32>} : memref<80xi32, #tpu.memory_space<vmem>>, vector<16xi32>,
          %swap3A_236 = vector.shape_cast %swap3A_235 : vector<16xi32> to vector<16xi32>
          %swap3A_237 = vector.shape_cast %add3A_232 : vector<16xi32> to vector<16xi32>
          tpu.vector_store %arg7[%swap3A], %swap3A_237 {strides = array<i32>} : memref<80xi32, #tpu.memory_space<vmem>>, vector<16xi32>,
          %scan3A_238 = arith.constant 0 : i32
          scf.yield %scan3A_238 : i32
        }
        %scan3A_218 = arith.constant 5 : i32
        %dma_start3A_219 = arith.constant 0 : i32
        %dma_start3A_220 = arith.constant 0 : i32
        %dma_start3A_221 = tpu.memref_slice %arg2[%dma_start3A_219, %dma_start3A_220] : memref<20000x128xf32, #tpu.memory_space<hbm>> -> memref<20000x128xf32, #tpu.memory_space<hbm>>
        tpu.enqueue_indirect_dma source(%dma_start3A_221 : memref<20000x128xf32, #tpu.memory_space<hbm>>) target(%arg13 : memref<80x128xf32, #tpu.memory_space<vmem>>) offsets(%arg7 : memref<80xi32, #tpu.memory_space<vmem>>) semaphore(%arg18 : memref<!tpu.dma_semaphore, #tpu.memory_space<semaphore_mem>>)
      } else {
      }
      %dma_wait3A_176 = arith.constant 0 : i32
      %dma_wait3A_177 = arith.constant 0 : i32
      %dma_wait3A_178 = tpu.memref_slice %arg3[%dma_wait3A_176, %dma_wait3A_177] : memref<160000x256xf32, #tpu.memory_space<hbm>> -> memref<80x128xf32, #tpu.memory_space<hbm>>
      %dma_wait3A_179 = arith.constant 0 : i32
      %dma_wait3A_180 = arith.constant 0 : i32
      %dma_wait3A_181 = tpu.memref_slice %arg3[%dma_wait3A_179, %dma_wait3A_180] : memref<160000x256xf32, #tpu.memory_space<hbm>> -> memref<80x128xf32, #tpu.memory_space<hbm>>
      tpu.wait_dma2 semaphore(%arg17 : memref<!tpu.dma_semaphore, #tpu.memory_space<semaphore_mem>>) src(%dma_wait3A_181 : memref<80x128xf32, #tpu.memory_space<hbm>>) dst(%arg12 : memref<80x128xf32, #tpu.memory_space<vmem>>)
      %dma_wait3A_182 = arith.constant 0 : i32
      %dma_wait3A_183 = arith.constant 0 : i32
      %dma_wait3A_184 = tpu.memref_slice %arg2[%dma_wait3A_182, %dma_wait3A_183] : memref<20000x128xf32, #tpu.memory_space<hbm>> -> memref<80x128xf32, #tpu.memory_space<hbm>>
      %dma_wait3A_185 = arith.constant 0 : i32
      %dma_wait3A_186 = arith.constant 0 : i32
      %dma_wait3A_187 = tpu.memref_slice %arg2[%dma_wait3A_185, %dma_wait3A_186] : memref<20000x128xf32, #tpu.memory_space<hbm>> -> memref<80x128xf32, #tpu.memory_space<hbm>>
      tpu.wait_dma2 semaphore(%arg18 : memref<!tpu.dma_semaphore, #tpu.memory_space<semaphore_mem>>) src(%dma_wait3A_187 : memref<80x128xf32, #tpu.memory_space<hbm>>) dst(%arg14 : memref<80x128xf32, #tpu.memory_space<vmem>>)
      %dma_start3A_188 = arith.constant 0 : i32
      %dma_start3A_189 = arith.constant 0 : i32
      %dma_start3A_190 = tpu.memref_slice %arg15[%dma_start3A_188, %dma_start3A_189] : memref<10000x128xf32, #tpu.memory_space<vmem_shared>> -> memref<10000x128xf32, #tpu.memory_space<vmem_shared>>
      tpu.enqueue_indirect_dma source(%arg12 : memref<80x128xf32, #tpu.memory_space<vmem>>) target(%dma_start3A_190 : memref<10000x128xf32, #tpu.memory_space<vmem_shared>>) offsets(%arg10 : memref<80xi32, #tpu.memory_space<vmem>>) semaphore(%arg19 : memref<!tpu.dma_semaphore, #tpu.memory_space<semaphore_mem>>) {add = true}
      "tpu.region"() ({
        %run_scoped3A = tpu.sem_alloc : memref<!tpu.dma_semaphore, #tpu.memory_space<semaphore_mem>>
        %dma_start3A_204 = arith.constant 0 : i32
        %dma_start3A_205 = arith.constant 0 : i32
        %dma_start3A_206 = tpu.memref_slice %arg15[%dma_start3A_204, %dma_start3A_205] : memref<10000x128xf32, #tpu.memory_space<vmem_shared>> -> memref<10000x128xf32, #tpu.memory_space<vmem_shared>>
        tpu.enqueue_indirect_dma source(%arg14 : memref<80x128xf32, #tpu.memory_space<vmem>>) target(%dma_start3A_206 : memref<10000x128xf32, #tpu.memory_space<vmem_shared>>) offsets(%arg10 : memref<80xi32, #tpu.memory_space<vmem>>) semaphore(%run_scoped3A : memref<!tpu.dma_semaphore, #tpu.memory_space<semaphore_mem>>) {add = true}
        %dma_wait3A_207 = arith.constant 0 : i32
        %dma_wait3A_208 = arith.constant 0 : i32
        %dma_wait3A_209 = tpu.memref_slice %arg15[%dma_wait3A_207, %dma_wait3A_208] : memref<10000x128xf32, #tpu.memory_space<vmem_shared>> -> memref<10000x128xf32, #tpu.memory_space<vmem_shared>>
        tpu.wait_indirect_dma semaphore(%run_scoped3A : memref<!tpu.dma_semaphore, #tpu.memory_space<semaphore_mem>>) src(%arg14 : memref<80x128xf32, #tpu.memory_space<vmem>>) dst(%dma_wait3A_209 : memref<10000x128xf32, #tpu.memory_space<vmem_shared>>)
        tpu.yield
      }) : () -> ()
      %dma_wait3A_191 = arith.constant 0 : i32
      %dma_wait3A_192 = arith.constant 0 : i32
      %dma_wait3A_193 = tpu.memref_slice %arg15[%dma_wait3A_191, %dma_wait3A_192] : memref<10000x128xf32, #tpu.memory_space<vmem_shared>> -> memref<80x128xf32, #tpu.memory_space<vmem_shared>>
      %dma_wait3A_194 = arith.constant 0 : i32
      %dma_wait3A_195 = arith.constant 0 : i32
      %dma_wait3A_196 = tpu.memref_slice %arg15[%dma_wait3A_194, %dma_wait3A_195] : memref<10000x128xf32, #tpu.memory_space<vmem_shared>> -> memref<80x128xf32, #tpu.memory_space<vmem_shared>>
      tpu.wait_dma2 semaphore(%arg19 : memref<!tpu.dma_semaphore, #tpu.memory_space<semaphore_mem>>) src(%arg12 : memref<80x128xf32, #tpu.memory_space<vmem>>) dst(%dma_wait3A_196 : memref<80x128xf32, #tpu.memory_space<vmem_shared>>)
      %add3A_197 = arith.constant 2 : i32
      %add3A_198 = arith.addi %add3A_169, %add3A_197 : i32
      %lt3A_199 = arith.cmpi slt, %add3A_198, %mul3A_37 : i32
      %convert_element_type3A_200 = arith.extui %lt3A_199 : i1 to i32
      %cond3A_201 = arith.constant 0 : i32
      %cond3A_202 = arith.cmpi ne, %convert_element_type3A_200, %cond3A_201 : i32
      scf.if %cond3A_202 {
        %add3A_204 = arith.constant 2 : i32
        %add3A_205 = arith.addi %add3A_169, %add3A_204 : i32
        %add3A_206 = arith.addi %mul3A_30, %add3A_205 : i32
        %mul3A_207 = arith.constant 80 : i32
        %mul3A_208 = arith.muli %add3A_206, %mul3A_207 : i32
        %multiple_of3A_209 = tpu.assume_multiple %mul3A_208, 8 : i32
        %dma_start3A_210 = tpu.memref_slice %arg4[%multiple_of3A_209] : memref<160000xi32, #tpu.memory_space<hbm>> -> memref<80xi32, #tpu.memory_space<hbm>>
        %dma_start3A_211 = tpu.memref_slice %arg4[%multiple_of3A_209] : memref<160000xi32, #tpu.memory_space<hbm>> -> memref<80xi32, #tpu.memory_space<hbm>>
        tpu.enqueue_dma source(%dma_start3A_211 : memref<80xi32, #tpu.memory_space<hbm>>) target(%arg8 : memref<80xi32, #tpu.memory_space<vmem>>) target_semaphore(%arg16 : memref<!tpu.dma_semaphore, #tpu.memory_space<semaphore_mem>>)
        %dma_start3A_212 = tpu.memref_slice %arg5[%multiple_of3A_209] : memref<160000xi32, #tpu.memory_space<hbm>> -> memref<80xi32, #tpu.memory_space<hbm>>
        %dma_start3A_213 = tpu.memref_slice %arg5[%multiple_of3A_209] : memref<160000xi32, #tpu.memory_space<hbm>> -> memref<80xi32, #tpu.memory_space<hbm>>
        tpu.enqueue_dma source(%dma_start3A_213 : memref<80xi32, #tpu.memory_space<hbm>>) target(%arg10 : memref<80xi32, #tpu.memory_space<vmem>>) target_semaphore(%arg16 : memref<!tpu.dma_semaphore, #tpu.memory_space<semaphore_mem>>)
        %add3A_214 = arith.constant 2 : i32
        %add3A_215 = arith.addi %add3A_169, %add3A_214 : i32
        %add3A_216 = arith.addi %mul3A_30, %add3A_215 : i32
        %mul3A_217 = arith.constant 80 : i32
        %mul3A_218 = arith.muli %add3A_216, %mul3A_217 : i32
        %multiple_of3A_219 = tpu.assume_multiple %mul3A_218, 8 : i32
        %dma_start3A_220 = tpu.memref_slice %arg3[%multiple_of3A_219, %multiple_of3A] : memref<160000x256xf32, #tpu.memory_space<hbm>> -> memref<80x128xf32, #tpu.memory_space<hbm>>
        %dma_start3A_221 = tpu.memref_slice %arg3[%multiple_of3A_219, %multiple_of3A] : memref<160000x256xf32, #tpu.memory_space<hbm>> -> memref<80x128xf32, #tpu.memory_space<hbm>>
        tpu.enqueue_dma source(%dma_start3A_221 : memref<80x128xf32, #tpu.memory_space<hbm>>) target(%arg12 : memref<80x128xf32, #tpu.memory_space<vmem>>) target_semaphore(%arg17 : memref<!tpu.dma_semaphore, #tpu.memory_space<semaphore_mem>>)
      } else {
      }
      %while3A_203 = arith.constant 0 : i32
      scf.yield %while3A_203 : i32
    }
    %while3A_114 = arith.constant 1 : i32
    %while3A_115 = scf.for %while3A_127 = %while3A_111 to %while3A_107 step %while3A_114 iter_args(%while3A_128 = %while3A_113) -> (i32)  : i32 {
      %mul3A_129 = arith.constant 2 : i32
      %mul3A_130 = arith.muli %mul3A_129, %while3A_127 : i32
      %add3A_131 = arith.constant 0 : i32
      %add3A_132 = arith.addi %mul3A_130, %add3A_131 : i32
      %add3A_133 = arith.constant 1 : i32
      %add3A_134 = arith.addi %add3A_132, %add3A_133 : i32
      %lt3A_135 = arith.cmpi slt, %add3A_134, %mul3A_37 : i32
      %convert_element_type3A_136 = arith.extui %lt3A_135 : i1 to i32
      %cond3A_137 = arith.constant 0 : i32
      %cond3A_138 = arith.cmpi ne, %convert_element_type3A_136, %cond3A_137 : i32
      scf.if %cond3A_138 {
        %dma_wait3A_204 = arith.constant 0 : i32
        %dma_wait3A_205 = tpu.memref_slice %arg4[%dma_wait3A_204] : memref<160000xi32, #tpu.memory_space<hbm>> -> memref<80xi32, #tpu.memory_space<hbm>>
        %dma_wait3A_206 = arith.constant 0 : i32
        %dma_wait3A_207 = tpu.memref_slice %arg4[%dma_wait3A_206] : memref<160000xi32, #tpu.memory_space<hbm>> -> memref<80xi32, #tpu.memory_space<hbm>>
        tpu.wait_dma2 semaphore(%arg16 : memref<!tpu.dma_semaphore, #tpu.memory_space<semaphore_mem>>) src(%dma_wait3A_207 : memref<80xi32, #tpu.memory_space<hbm>>) dst(%arg8 : memref<80xi32, #tpu.memory_space<vmem>>)
        %dma_wait3A_208 = arith.constant 0 : i32
        %dma_wait3A_209 = tpu.memref_slice %arg5[%dma_wait3A_208] : memref<160000xi32, #tpu.memory_space<hbm>> -> memref<80xi32, #tpu.memory_space<hbm>>
        %dma_wait3A_210 = arith.constant 0 : i32
        %dma_wait3A_211 = tpu.memref_slice %arg5[%dma_wait3A_210] : memref<160000xi32, #tpu.memory_space<hbm>> -> memref<80xi32, #tpu.memory_space<hbm>>
        tpu.wait_dma2 semaphore(%arg16 : memref<!tpu.dma_semaphore, #tpu.memory_space<semaphore_mem>>) src(%dma_wait3A_211 : memref<80xi32, #tpu.memory_space<hbm>>) dst(%arg10 : memref<80xi32, #tpu.memory_space<vmem>>)
        %scan3A_212 = arith.constant 0 : i32
        %scan3A_213 = arith.constant 0 : i32
        %scan3A_214 = arith.constant 5 : i32
        %scan3A_215 = arith.addi %scan3A_213, %scan3A_214 : i32
        %scan3A_216 = arith.constant 1 : i32
        %scan3A_217 = scf.for %scan3A_222 = %scan3A_213 to %scan3A_215 step %scan3A_216 iter_args(%scan3A_223 = %scan3A_212) -> (i32)  : i32 {
          %mul3A_224 = arith.constant 16 : i32
          %mul3A_225 = arith.muli %scan3A_222, %mul3A_224 : i32
          %get3A = arith.index_cast %mul3A_225 : i32 to index
          %get3A_226 = tpu.vector_load %arg8[%get3A] {strides = array<i32>} : memref<80xi32, #tpu.memory_space<vmem>>, vector<16xi32>,
          %get3A_227 = vector.shape_cast %get3A_226 : vector<16xi32> to vector<16xi32>
          %mul3A_228 = arith.constant 2 : i32
          %mul3A_229 = vector.broadcast %mul3A_228 : i32 to vector<16xi32>
          %mul3A_230 = arith.muli %get3A_227, %mul3A_229 : vector<16xi32>
          %add3A_231 = vector.broadcast %arg0 : i32 to vector<16xi32>
          %add3A_232 = arith.addi %mul3A_230, %add3A_231 : vector<16xi32>
          %mul3A_233 = arith.constant 16 : i32
          %mul3A_234 = arith.muli %scan3A_222, %mul3A_233 : i32
          %swap3A = arith.index_cast %mul3A_234 : i32 to index
          %swap3A_235 = tpu.vector_load %arg8[%swap3A] {strides = array<i32>} : memref<80xi32, #tpu.memory_space<vmem>>, vector<16xi32>,
          %swap3A_236 = vector.shape_cast %swap3A_235 : vector<16xi32> to vector<16xi32>
          %swap3A_237 = vector.shape_cast %add3A_232 : vector<16xi32> to vector<16xi32>
          tpu.vector_store %arg8[%swap3A], %swap3A_237 {strides = array<i32>} : memref<80xi32, #tpu.memory_space<vmem>>, vector<16xi32>,
          %scan3A_238 = arith.constant 0 : i32
          scf.yield %scan3A_238 : i32
        }
        %scan3A_218 = arith.constant 5 : i32
        %dma_start3A_219 = arith.constant 0 : i32
        %dma_start3A_220 = arith.constant 0 : i32
        %dma_start3A_221 = tpu.memref_slice %arg2[%dma_start3A_219, %dma_start3A_220] : memref<20000x128xf32, #tpu.memory_space<hbm>> -> memref<20000x128xf32, #tpu.memory_space<hbm>>
        tpu.enqueue_indirect_dma source(%dma_start3A_221 : memref<20000x128xf32, #tpu.memory_space<hbm>>) target(%arg14 : memref<80x128xf32, #tpu.memory_space<vmem>>) offsets(%arg8 : memref<80xi32, #tpu.memory_space<vmem>>) semaphore(%arg18 : memref<!tpu.dma_semaphore, #tpu.memory_space<semaphore_mem>>)
      } else {
      }
      %dma_wait3A_139 = arith.constant 0 : i32
      %dma_wait3A_140 = arith.constant 0 : i32
      %dma_wait3A_141 = tpu.memref_slice %arg3[%dma_wait3A_139, %dma_wait3A_140] : memref<160000x256xf32, #tpu.memory_space<hbm>> -> memref<80x128xf32, #tpu.memory_space<hbm>>
      %dma_wait3A_142 = arith.constant 0 : i32
      %dma_wait3A_143 = arith.constant 0 : i32
      %dma_wait3A_144 = tpu.memref_slice %arg3[%dma_wait3A_142, %dma_wait3A_143] : memref<160000x256xf32, #tpu.memory_space<hbm>> -> memref<80x128xf32, #tpu.memory_space<hbm>>
      tpu.wait_dma2 semaphore(%arg17 : memref<!tpu.dma_semaphore, #tpu.memory_space<semaphore_mem>>) src(%dma_wait3A_144 : memref<80x128xf32, #tpu.memory_space<hbm>>) dst(%arg11 : memref<80x128xf32, #tpu.memory_space<vmem>>)
      %dma_wait3A_145 = arith.constant 0 : i32
      %dma_wait3A_146 = arith.constant 0 : i32
      %dma_wait3A_147 = tpu.memref_slice %arg2[%dma_wait3A_145, %dma_wait3A_146] : memref<20000x128xf32, #tpu.memory_space<hbm>> -> memref<80x128xf32, #tpu.memory_space<hbm>>
      %dma_wait3A_148 = arith.constant 0 : i32
      %dma_wait3A_149 = arith.constant 0 : i32
      %dma_wait3A_150 = tpu.memref_slice %arg2[%dma_wait3A_148, %dma_wait3A_149] : memref<20000x128xf32, #tpu.memory_space<hbm>> -> memref<80x128xf32, #tpu.memory_space<hbm>>
      tpu.wait_dma2 semaphore(%arg18 : memref<!tpu.dma_semaphore, #tpu.memory_space<semaphore_mem>>) src(%dma_wait3A_150 : memref<80x128xf32, #tpu.memory_space<hbm>>) dst(%arg13 : memref<80x128xf32, #tpu.memory_space<vmem>>)
      %dma_start3A_151 = arith.constant 0 : i32
      %dma_start3A_152 = arith.constant 0 : i32
      %dma_start3A_153 = tpu.memref_slice %arg15[%dma_start3A_151, %dma_start3A_152] : memref<10000x128xf32, #tpu.memory_space<vmem_shared>> -> memref<10000x128xf32, #tpu.memory_space<vmem_shared>>
      tpu.enqueue_indirect_dma source(%arg11 : memref<80x128xf32, #tpu.memory_space<vmem>>) target(%dma_start3A_153 : memref<10000x128xf32, #tpu.memory_space<vmem_shared>>) offsets(%arg9 : memref<80xi32, #tpu.memory_space<vmem>>) semaphore(%arg19 : memref<!tpu.dma_semaphore, #tpu.memory_space<semaphore_mem>>) {add = true}
      "tpu.region"() ({
        %run_scoped3A = tpu.sem_alloc : memref<!tpu.dma_semaphore, #tpu.memory_space<semaphore_mem>>
        %dma_start3A_204 = arith.constant 0 : i32
        %dma_start3A_205 = arith.constant 0 : i32
        %dma_start3A_206 = tpu.memref_slice %arg15[%dma_start3A_204, %dma_start3A_205] : memref<10000x128xf32, #tpu.memory_space<vmem_shared>> -> memref<10000x128xf32, #tpu.memory_space<vmem_shared>>
        tpu.enqueue_indirect_dma source(%arg13 : memref<80x128xf32, #tpu.memory_space<vmem>>) target(%dma_start3A_206 : memref<10000x128xf32, #tpu.memory_space<vmem_shared>>) offsets(%arg9 : memref<80xi32, #tpu.memory_space<vmem>>) semaphore(%run_scoped3A : memref<!tpu.dma_semaphore, #tpu.memory_space<semaphore_mem>>) {add = true}
        %dma_wait3A_207 = arith.constant 0 : i32
        %dma_wait3A_208 = arith.constant 0 : i32
        %dma_wait3A_209 = tpu.memref_slice %arg15[%dma_wait3A_207, %dma_wait3A_208] : memref<10000x128xf32, #tpu.memory_space<vmem_shared>> -> memref<10000x128xf32, #tpu.memory_space<vmem_shared>>
        tpu.wait_indirect_dma semaphore(%run_scoped3A : memref<!tpu.dma_semaphore, #tpu.memory_space<semaphore_mem>>) src(%arg13 : memref<80x128xf32, #tpu.memory_space<vmem>>) dst(%dma_wait3A_209 : memref<10000x128xf32, #tpu.memory_space<vmem_shared>>)
        tpu.yield
      }) : () -> ()
      %dma_wait3A_154 = arith.constant 0 : i32
      %dma_wait3A_155 = arith.constant 0 : i32
      %dma_wait3A_156 = tpu.memref_slice %arg15[%dma_wait3A_154, %dma_wait3A_155] : memref<10000x128xf32, #tpu.memory_space<vmem_shared>> -> memref<80x128xf32, #tpu.memory_space<vmem_shared>>
      %dma_wait3A_157 = arith.constant 0 : i32
      %dma_wait3A_158 = arith.constant 0 : i32
      %dma_wait3A_159 = tpu.memref_slice %arg15[%dma_wait3A_157, %dma_wait3A_158] : memref<10000x128xf32, #tpu.memory_space<vmem_shared>> -> memref<80x128xf32, #tpu.memory_space<vmem_shared>>
      tpu.wait_dma2 semaphore(%arg19 : memref<!tpu.dma_semaphore, #tpu.memory_space<semaphore_mem>>) src(%arg11 : memref<80x128xf32, #tpu.memory_space<vmem>>) dst(%dma_wait3A_159 : memref<80x128xf32, #tpu.memory_space<vmem_shared>>)
      %add3A_160 = arith.constant 2 : i32
      %add3A_161 = arith.addi %add3A_132, %add3A_160 : i32
      %lt3A_162 = arith.cmpi slt, %add3A_161, %mul3A_37 : i32
      %convert_element_type3A_163 = arith.extui %lt3A_162 : i1 to i32
      %cond3A_164 = arith.constant 0 : i32
      %cond3A_165 = arith.cmpi ne, %convert_element_type3A_163, %cond3A_164 : i32
      scf.if %cond3A_165 {
        %add3A_204 = arith.constant 2 : i32
        %add3A_205 = arith.addi %add3A_132, %add3A_204 : i32
        %add3A_206 = arith.addi %mul3A_30, %add3A_205 : i32
        %mul3A_207 = arith.constant 80 : i32
        %mul3A_208 = arith.muli %add3A_206, %mul3A_207 : i32
        %multiple_of3A_209 = tpu.assume_multiple %mul3A_208, 8 : i32
        %dma_start3A_210 = tpu.memref_slice %arg4[%multiple_of3A_209] : memref<160000xi32, #tpu.memory_space<hbm>> -> memref<80xi32, #tpu.memory_space<hbm>>
        %dma_start3A_211 = tpu.memref_slice %arg4[%multiple_of3A_209] : memref<160000xi32, #tpu.memory_space<hbm>> -> memref<80xi32, #tpu.memory_space<hbm>>
        tpu.enqueue_dma source(%dma_start3A_211 : memref<80xi32, #tpu.memory_space<hbm>>) target(%arg7 : memref<80xi32, #tpu.memory_space<vmem>>) target_semaphore(%arg16 : memref<!tpu.dma_semaphore, #tpu.memory_space<semaphore_mem>>)
        %dma_start3A_212 = tpu.memref_slice %arg5[%multiple_of3A_209] : memref<160000xi32, #tpu.memory_space<hbm>> -> memref<80xi32, #tpu.memory_space<hbm>>
        %dma_start3A_213 = tpu.memref_slice %arg5[%multiple_of3A_209] : memref<160000xi32, #tpu.memory_space<hbm>> -> memref<80xi32, #tpu.memory_space<hbm>>
        tpu.enqueue_dma source(%dma_start3A_213 : memref<80xi32, #tpu.memory_space<hbm>>) target(%arg9 : memref<80xi32, #tpu.memory_space<vmem>>) target_semaphore(%arg16 : memref<!tpu.dma_semaphore, #tpu.memory_space<semaphore_mem>>)
        %add3A_214 = arith.constant 2 : i32
        %add3A_215 = arith.addi %add3A_132, %add3A_214 : i32
        %add3A_216 = arith.addi %mul3A_30, %add3A_215 : i32
        %mul3A_217 = arith.constant 80 : i32
        %mul3A_218 = arith.muli %add3A_216, %mul3A_217 : i32
        %multiple_of3A_219 = tpu.assume_multiple %mul3A_218, 8 : i32
        %dma_start3A_220 = tpu.memref_slice %arg3[%multiple_of3A_219, %multiple_of3A] : memref<160000x256xf32, #tpu.memory_space<hbm>> -> memref<80x128xf32, #tpu.memory_space<hbm>>
        %dma_start3A_221 = tpu.memref_slice %arg3[%multiple_of3A_219, %multiple_of3A] : memref<160000x256xf32, #tpu.memory_space<hbm>> -> memref<80x128xf32, #tpu.memory_space<hbm>>
        tpu.enqueue_dma source(%dma_start3A_221 : memref<80x128xf32, #tpu.memory_space<hbm>>) target(%arg11 : memref<80x128xf32, #tpu.memory_space<vmem>>) target_semaphore(%arg17 : memref<!tpu.dma_semaphore, #tpu.memory_space<semaphore_mem>>)
      } else {
      }
      %mul3A_166 = arith.constant 2 : i32
      %mul3A_167 = arith.muli %mul3A_166, %while3A_127 : i32
      %add3A_168 = arith.constant 1 : i32
      %add3A_169 = arith.addi %mul3A_167, %add3A_168 : i32
      %add3A_170 = arith.constant 1 : i32
      %add3A_171 = arith.addi %add3A_169, %add3A_170 : i32
      %lt3A_172 = arith.cmpi slt, %add3A_171, %mul3A_37 : i32
      %convert_element_type3A_173 = arith.extui %lt3A_172 : i1 to i32
      %cond3A_174 = arith.constant 0 : i32
      %cond3A_175 = arith.cmpi ne, %convert_element_type3A_173, %cond3A_174 : i32
      scf.if %cond3A_175 {
        %dma_wait3A_204 = arith.constant 0 : i32
        %dma_wait3A_205 = tpu.memref_slice %arg4[%dma_wait3A_204] : memref<160000xi32, #tpu.memory_space<hbm>> -> memref<80xi32, #tpu.memory_space<hbm>>
        %dma_wait3A_206 = arith.constant 0 : i32
        %dma_wait3A_207 = tpu.memref_slice %arg4[%dma_wait3A_206] : memref<160000xi32, #tpu.memory_space<hbm>> -> memref<80xi32, #tpu.memory_space<hbm>>
        tpu.wait_dma2 semaphore(%arg16 : memref<!tpu.dma_semaphore, #tpu.memory_space<semaphore_mem>>) src(%dma_wait3A_207 : memref<80xi32, #tpu.memory_space<hbm>>) dst(%arg7 : memref<80xi32, #tpu.memory_space<vmem>>)
        %dma_wait3A_208 = arith.constant 0 : i32
        %dma_wait3A_209 = tpu.memref_slice %arg5[%dma_wait3A_208] : memref<160000xi32, #tpu.memory_space<hbm>> -> memref<80xi32, #tpu.memory_space<hbm>>
        %dma_wait3A_210 = arith.constant 0 : i32
        %dma_wait3A_211 = tpu.memref_slice %arg5[%dma_wait3A_210] : memref<160000xi32, #tpu.memory_space<hbm>> -> memref<80xi32, #tpu.memory_space<hbm>>
        tpu.wait_dma2 semaphore(%arg16 : memref<!tpu.dma_semaphore, #tpu.memory_space<semaphore_mem>>) src(%dma_wait3A_211 : memref<80xi32, #tpu.memory_space<hbm>>) dst(%arg9 : memref<80xi32, #tpu.memory_space<vmem>>)
        %scan3A_212 = arith.constant 0 : i32
        %scan3A_213 = arith.constant 0 : i32
        %scan3A_214 = arith.constant 5 : i32
        %scan3A_215 = arith.addi %scan3A_213, %scan3A_214 : i32
        %scan3A_216 = arith.constant 1 : i32
        %scan3A_217 = scf.for %scan3A_222 = %scan3A_213 to %scan3A_215 step %scan3A_216 iter_args(%scan3A_223 = %scan3A_212) -> (i32)  : i32 {
          %mul3A_224 = arith.constant 16 : i32
          %mul3A_225 = arith.muli %scan3A_222, %mul3A_224 : i32
          %get3A = arith.index_cast %mul3A_225 : i32 to index
          %get3A_226 = tpu.vector_load %arg7[%get3A] {strides = array<i32>} : memref<80xi32, #tpu.memory_space<vmem>>, vector<16xi32>,
          %get3A_227 = vector.shape_cast %get3A_226 : vector<16xi32> to vector<16xi32>
          %mul3A_228 = arith.constant 2 : i32
          %mul3A_229 = vector.broadcast %mul3A_228 : i32 to vector<16xi32>
          %mul3A_230 = arith.muli %get3A_227, %mul3A_229 : vector<16xi32>
          %add3A_231 = vector.broadcast %arg0 : i32 to vector<16xi32>
          %add3A_232 = arith.addi %mul3A_230, %add3A_231 : vector<16xi32>
          %mul3A_233 = arith.constant 16 : i32
          %mul3A_234 = arith.muli %scan3A_222, %mul3A_233 : i32
          %swap3A = arith.index_cast %mul3A_234 : i32 to index
          %swap3A_235 = tpu.vector_load %arg7[%swap3A] {strides = array<i32>} : memref<80xi32, #tpu.memory_space<vmem>>, vector<16xi32>,
          %swap3A_236 = vector.shape_cast %swap3A_235 : vector<16xi32> to vector<16xi32>
          %swap3A_237 = vector.shape_cast %add3A_232 : vector<16xi32> to vector<16xi32>
          tpu.vector_store %arg7[%swap3A], %swap3A_237 {strides = array<i32>} : memref<80xi32, #tpu.memory_space<vmem>>, vector<16xi32>,
          %scan3A_238 = arith.constant 0 : i32
          scf.yield %scan3A_238 : i32
        }
        %scan3A_218 = arith.constant 5 : i32
        %dma_start3A_219 = arith.constant 0 : i32
        %dma_start3A_220 = arith.constant 0 : i32
        %dma_start3A_221 = tpu.memref_slice %arg2[%dma_start3A_219, %dma_start3A_220] : memref<20000x128xf32, #tpu.memory_space<hbm>> -> memref<20000x128xf32, #tpu.memory_space<hbm>>
        tpu.enqueue_indirect_dma source(%dma_start3A_221 : memref<20000x128xf32, #tpu.memory_space<hbm>>) target(%arg13 : memref<80x128xf32, #tpu.memory_space<vmem>>) offsets(%arg7 : memref<80xi32, #tpu.memory_space<vmem>>) semaphore(%arg18 : memref<!tpu.dma_semaphore, #tpu.memory_space<semaphore_mem>>)
      } else {
      }
      %dma_wait3A_176 = arith.constant 0 : i32
      %dma_wait3A_177 = arith.constant 0 : i32
      %dma_wait3A_178 = tpu.memref_slice %arg3[%dma_wait3A_176, %dma_wait3A_177] : memref<160000x256xf32, #tpu.memory_space<hbm>> -> memref<80x128xf32, #tpu.memory_space<hbm>>
      %dma_wait3A_179 = arith.constant 0 : i32
      %dma_wait3A_180 = arith.constant 0 : i32
      %dma_wait3A_181 = tpu.memref_slice %arg3[%dma_wait3A_179, %dma_wait3A_180] : memref<160000x256xf32, #tpu.memory_space<hbm>> -> memref<80x128xf32, #tpu.memory_space<hbm>>
      tpu.wait_dma2 semaphore(%arg17 : memref<!tpu.dma_semaphore, #tpu.memory_space<semaphore_mem>>) src(%dma_wait3A_181 : memref<80x128xf32, #tpu.memory_space<hbm>>) dst(%arg12 : memref<80x128xf32, #tpu.memory_space<vmem>>)
      %dma_wait3A_182 = arith.constant 0 : i32
      %dma_wait3A_183 = arith.constant 0 : i32
      %dma_wait3A_184 = tpu.memref_slice %arg2[%dma_wait3A_182, %dma_wait3A_183] : memref<20000x128xf32, #tpu.memory_space<hbm>> -> memref<80x128xf32, #tpu.memory_space<hbm>>
      %dma_wait3A_185 = arith.constant 0 : i32
      %dma_wait3A_186 = arith.constant 0 : i32
      %dma_wait3A_187 = tpu.memref_slice %arg2[%dma_wait3A_185, %dma_wait3A_186] : memref<20000x128xf32, #tpu.memory_space<hbm>> -> memref<80x128xf32, #tpu.memory_space<hbm>>
      tpu.wait_dma2 semaphore(%arg18 : memref<!tpu.dma_semaphore, #tpu.memory_space<semaphore_mem>>) src(%dma_wait3A_187 : memref<80x128xf32, #tpu.memory_space<hbm>>) dst(%arg14 : memref<80x128xf32, #tpu.memory_space<vmem>>)
      %dma_start3A_188 = arith.constant 0 : i32
      %dma_start3A_189 = arith.constant 0 : i32
      %dma_start3A_190 = tpu.memref_slice %arg15[%dma_start3A_188, %dma_start3A_189] : memref<10000x128xf32, #tpu.memory_space<vmem_shared>> -> memref<10000x128xf32, #tpu.memory_space<vmem_shared>>
      tpu.enqueue_indirect_dma source(%arg12 : memref<80x128xf32, #tpu.memory_space<vmem>>) target(%dma_start3A_190 : memref<10000x128xf32, #tpu.memory_space<vmem_shared>>) offsets(%arg10 : memref<80xi32, #tpu.memory_space<vmem>>) semaphore(%arg19 : memref<!tpu.dma_semaphore, #tpu.memory_space<semaphore_mem>>) {add = true}
      "tpu.region"() ({
        %run_scoped3A = tpu.sem_alloc : memref<!tpu.dma_semaphore, #tpu.memory_space<semaphore_mem>>
        %dma_start3A_204 = arith.constant 0 : i32
        %dma_start3A_205 = arith.constant 0 : i32
        %dma_start3A_206 = tpu.memref_slice %arg15[%dma_start3A_204, %dma_start3A_205] : memref<10000x128xf32, #tpu.memory_space<vmem_shared>> -> memref<10000x128xf32, #tpu.memory_space<vmem_shared>>
        tpu.enqueue_indirect_dma source(%arg14 : memref<80x128xf32, #tpu.memory_space<vmem>>) target(%dma_start3A_206 : memref<10000x128xf32, #tpu.memory_space<vmem_shared>>) offsets(%arg10 : memref<80xi32, #tpu.memory_space<vmem>>) semaphore(%run_scoped3A : memref<!tpu.dma_semaphore, #tpu.memory_space<semaphore_mem>>) {add = true}
        %dma_wait3A_207 = arith.constant 0 : i32
        %dma_wait3A_208 = arith.constant 0 : i32
        %dma_wait3A_209 = tpu.memref_slice %arg15[%dma_wait3A_207, %dma_wait3A_208] : memref<10000x128xf32, #tpu.memory_space<vmem_shared>> -> memref<10000x128xf32, #tpu.memory_space<vmem_shared>>
        tpu.wait_indirect_dma semaphore(%run_scoped3A : memref<!tpu.dma_semaphore, #tpu.memory_space<semaphore_mem>>) src(%arg14 : memref<80x128xf32, #tpu.memory_space<vmem>>) dst(%dma_wait3A_209 : memref<10000x128xf32, #tpu.memory_space<vmem_shared>>)
        tpu.yield
      }) : () -> ()
      %dma_wait3A_191 = arith.constant 0 : i32
      %dma_wait3A_192 = arith.constant 0 : i32
      %dma_wait3A_193 = tpu.memref_slice %arg15[%dma_wait3A_191, %dma_wait3A_192] : memref<10000x128xf32, #tpu.memory_space<vmem_shared>> -> memref<80x128xf32, #tpu.memory_space<vmem_shared>>
      %dma_wait3A_194 = arith.constant 0 : i32
      %dma_wait3A_195 = arith.constant 0 : i32
      %dma_wait3A_196 = tpu.memref_slice %arg15[%dma_wait3A_194, %dma_wait3A_195] : memref<10000x128xf32, #tpu.memory_space<vmem_shared>> -> memref<80x128xf32, #tpu.memory_space<vmem_shared>>
      tpu.wait_dma2 semaphore(%arg19 : memref<!tpu.dma_semaphore, #tpu.memory_space<semaphore_mem>>) src(%arg12 : memref<80x128xf32, #tpu.memory_space<vmem>>) dst(%dma_wait3A_196 : memref<80x128xf32, #tpu.memory_space<vmem_shared>>)
      %add3A_197 = arith.constant 2 : i32
      %add3A_198 = arith.addi %add3A_169, %add3A_197 : i32
      %lt3A_199 = arith.cmpi slt, %add3A_198, %mul3A_37 : i32
      %convert_element_type3A_200 = arith.extui %lt3A_199 : i1 to i32
      %cond3A_201 = arith.constant 0 : i32
      %cond3A_202 = arith.cmpi ne, %convert_element_type3A_200, %cond3A_201 : i32
      scf.if %cond3A_202 {
        %add3A_204 = arith.constant 2 : i32
        %add3A_205 = arith.addi %add3A_169, %add3A_204 : i32
        %add3A_206 = arith.addi %mul3A_30, %add3A_205 : i32
        %mul3A_207 = arith.constant 80 : i32
        %mul3A_208 = arith.muli %add3A_206, %mul3A_207 : i32
        %multiple_of3A_209 = tpu.assume_multiple %mul3A_208, 8 : i32
        %dma_start3A_210 = tpu.memref_slice %arg4[%multiple_of3A_209] : memref<160000xi32, #tpu.memory_space<hbm>> -> memref<80xi32, #tpu.memory_space<hbm>>
        %dma_start3A_211 = tpu.memref_slice %arg4[%multiple_of3A_209] : memref<160000xi32, #tpu.memory_space<hbm>> -> memref<80xi32, #tpu.memory_space<hbm>>
        tpu.enqueue_dma source(%dma_start3A_211 : memref<80xi32, #tpu.memory_space<hbm>>) target(%arg8 : memref<80xi32, #tpu.memory_space<vmem>>) target_semaphore(%arg16 : memref<!tpu.dma_semaphore, #tpu.memory_space<semaphore_mem>>)
        %dma_start3A_212 = tpu.memref_slice %arg5[%multiple_of3A_209] : memref<160000xi32, #tpu.memory_space<hbm>> -> memref<80xi32, #tpu.memory_space<hbm>>
        %dma_start3A_213 = tpu.memref_slice %arg5[%multiple_of3A_209] : memref<160000xi32, #tpu.memory_space<hbm>> -> memref<80xi32, #tpu.memory_space<hbm>>
        tpu.enqueue_dma source(%dma_start3A_213 : memref<80xi32, #tpu.memory_space<hbm>>) target(%arg10 : memref<80xi32, #tpu.memory_space<vmem>>) target_semaphore(%arg16 : memref<!tpu.dma_semaphore, #tpu.memory_space<semaphore_mem>>)
        %add3A_214 = arith.constant 2 : i32
        %add3A_215 = arith.addi %add3A_169, %add3A_214 : i32
        %add3A_216 = arith.addi %mul3A_30, %add3A_215 : i32
        %mul3A_217 = arith.constant 80 : i32
        %mul3A_218 = arith.muli %add3A_216, %mul3A_217 : i32
        %multiple_of3A_219 = tpu.assume_multiple %mul3A_218, 8 : i32
        %dma_start3A_220 = tpu.memref_slice %arg3[%multiple_of3A_219, %multiple_of3A] : memref<160000x256xf32, #tpu.memory_space<hbm>> -> memref<80x128xf32, #tpu.memory_space<hbm>>
        %dma_start3A_221 = tpu.memref_slice %arg3[%multiple_of3A_219, %multiple_of3A] : memref<160000x256xf32, #tpu.memory_space<hbm>> -> memref<80x128xf32, #tpu.memory_space<hbm>>
        tpu.enqueue_dma source(%dma_start3A_221 : memref<80x128xf32, #tpu.memory_space<hbm>>) target(%arg12 : memref<80x128xf32, #tpu.memory_space<vmem>>) target_semaphore(%arg17 : memref<!tpu.dma_semaphore, #tpu.memory_space<semaphore_mem>>)
      } else {
      }
      %while3A_203 = arith.constant 0 : i32
      scf.yield %while3A_203 : i32
    }
    %barrier3A_116 = arith.constant 0 : index
    tpu.barrier barrier_id(%barrier3A_116)
    %mul3A_117 = arith.constant 40 : i32
    %mul3A_118 = arith.muli %add3A, %mul3A_117 : i32
    %multiple_of3A_119 = tpu.assume_multiple %mul3A_118, 8 : i32
    %lt3A_120 = arith.constant 10 : i32
    %lt3A_121 = arith.cmpi slt, %arg1, %lt3A_120 : i32
    %convert_element_type3A = arith.extui %lt3A_121 : i1 to i32
    %cond3A = arith.constant 0 : i32
    %cond3A_122 = arith.cmpi ne, %convert_element_type3A, %cond3A : i32
    scf.if %cond3A_122 {
      "tpu.region"() ({
        %run_scoped3A = tpu.sem_alloc : memref<!tpu.dma_semaphore, #tpu.memory_space<semaphore_mem>>
        %dma_start3A_127 = tpu.memref_slice %arg6[%multiple_of3A_119, %multiple_of3A] : memref<10000x256xf32, #tpu.memory_space<hbm>> -> memref<640x128xf32, #tpu.memory_space<hbm>>
        %dma_start3A_128 = arith.constant 0 : i32
        %dma_start3A_129 = tpu.memref_slice %arg15[%multiple_of3A_119, %dma_start3A_128] : memref<10000x128xf32, #tpu.memory_space<vmem_shared>> -> memref<640x128xf32, #tpu.memory_space<vmem_shared>>
        tpu.enqueue_dma source(%dma_start3A_129 : memref<640x128xf32, #tpu.memory_space<vmem_shared>>) target(%dma_start3A_127 : memref<640x128xf32, #tpu.memory_space<hbm>>) target_semaphore(%run_scoped3A : memref<!tpu.dma_semaphore, #tpu.memory_space<semaphore_mem>>)
        %dma_wait3A_130 = tpu.memref_slice %arg6[%multiple_of3A_119, %multiple_of3A] : memref<10000x256xf32, #tpu.memory_space<hbm>> -> memref<640x128xf32, #tpu.memory_space<hbm>>
        %dma_wait3A_131 = arith.constant 0 : i32
        %dma_wait3A_132 = tpu.memref_slice %arg15[%multiple_of3A_119, %dma_wait3A_131] : memref<10000x128xf32, #tpu.memory_space<vmem_shared>> -> memref<640x128xf32, #tpu.memory_space<vmem_shared>>
        tpu.wait_dma2 semaphore(%run_scoped3A : memref<!tpu.dma_semaphore, #tpu.memory_space<semaphore_mem>>) src(%dma_wait3A_132 : memref<640x128xf32, #tpu.memory_space<vmem_shared>>) dst(%dma_wait3A_130 : memref<640x128xf32, #tpu.memory_space<hbm>>)
        tpu.yield
      }) : () -> ()
    } else {
    }
    %ge3A = arith.constant 10 : i32
    %ge3A_123 = arith.cmpi sge, %arg1, %ge3A : i32
    %convert_element_type3A_124 = arith.extui %ge3A_123 : i1 to i32
    %cond3A_125 = arith.constant 0 : i32
    %cond3A_126 = arith.cmpi ne, %convert_element_type3A_124, %cond3A_125 : i32
    scf.if %cond3A_126 {
      "tpu.region"() ({
        %run_scoped3A = tpu.sem_alloc : memref<!tpu.dma_semaphore, #tpu.memory_space<semaphore_mem>>
        %dma_start3A_127 = tpu.memref_slice %arg6[%multiple_of3A_119, %multiple_of3A] : memref<10000x256xf32, #tpu.memory_space<hbm>> -> memref<600x128xf32, #tpu.memory_space<hbm>>
        %dma_start3A_128 = arith.constant 0 : i32
        %dma_start3A_129 = tpu.memref_slice %arg15[%multiple_of3A_119, %dma_start3A_128] : memref<10000x128xf32, #tpu.memory_space<vmem_shared>> -> memref<600x128xf32, #tpu.memory_space<vmem_shared>>
        tpu.enqueue_dma source(%dma_start3A_129 : memref<600x128xf32, #tpu.memory_space<vmem_shared>>) target(%dma_start3A_127 : memref<600x128xf32, #tpu.memory_space<hbm>>) target_semaphore(%run_scoped3A : memref<!tpu.dma_semaphore, #tpu.memory_space<semaphore_mem>>)
        %dma_wait3A_130 = tpu.memref_slice %arg6[%multiple_of3A_119, %multiple_of3A] : memref<10000x256xf32, #tpu.memory_space<hbm>> -> memref<600x128xf32, #tpu.memory_space<hbm>>
        %dma_wait3A_131 = arith.constant 0 : i32
        %dma_wait3A_132 = tpu.memref_slice %arg15[%multiple_of3A_119, %dma_wait3A_131] : memref<10000x128xf32, #tpu.memory_space<vmem_shared>> -> memref<600x128xf32, #tpu.memory_space<vmem_shared>>
        tpu.wait_dma2 semaphore(%run_scoped3A : memref<!tpu.dma_semaphore, #tpu.memory_space<semaphore_mem>>) src(%dma_wait3A_132 : memref<600x128xf32, #tpu.memory_space<vmem_shared>>) dst(%dma_wait3A_130 : memref<600x128xf32, #tpu.memory_space<hbm>>)
        tpu.yield
      }) : () -> ()
    } else {
    }
    return
  }
}

module attributes {stable_mosaic.version = 14 : i64} {
  func.func @body(%arg0: i32, %arg1: memref<1000x256xf32, #tpu.memory_space<vmem>>, %arg2: memref<1000x256xf32, #tpu.memory_space<vmem>>, %arg3: memref<256x512xf32, #tpu.memory_space<vmem>>, %arg4: memref<1x512xf32, #tpu.memory_space<vmem>>, %arg5: memref<512x256xf32, #tpu.memory_space<vmem>>, %arg6: memref<1x256xf32, #tpu.memory_space<vmem>>, %arg7: memref<1x256xf32, #tpu.memory_space<vmem>>, %arg8: memref<1x256xf32, #tpu.memory_space<vmem>>, %arg9: memref<1000x256xf32, #tpu.memory_space<vmem>>) attributes {dimension_semantics = [#tpu.dimension_semantics<arbitrary>], iteration_bounds = array<i64: 10>, scalar_prefetch = 0 : i64, scratch_operands = 0 : i64, tpu.core_type = #tpu.core_type<tc>, window_params = [{transform_indices = @transform_0, window_bounds = array<i64: 1000, 256>}, {transform_indices = @transform_1, window_bounds = array<i64: 1000, 256>}, {pipeline_mode = #tpu.pipeline_mode<synchronous>, transform_indices = @transform_2, window_bounds = array<i64: 256, 512>}, {pipeline_mode = #tpu.pipeline_mode<synchronous>, transform_indices = @transform_3, window_bounds = array<i64: 1, 512>}, {pipeline_mode = #tpu.pipeline_mode<synchronous>, transform_indices = @transform_4, window_bounds = array<i64: 512, 256>}, {pipeline_mode = #tpu.pipeline_mode<synchronous>, transform_indices = @transform_5, window_bounds = array<i64: 1, 256>}, {pipeline_mode = #tpu.pipeline_mode<synchronous>, transform_indices = @transform_6, window_bounds = array<i64: 1, 256>}, {pipeline_mode = #tpu.pipeline_mode<synchronous>, transform_indices = @transform_7, window_bounds = array<i64: 1, 256>}, {transform_indices = @transform_8, window_bounds = array<i64: 1000, 256>}]} {
    %get3A = arith.constant 0 : index
    %get3A_0 = arith.constant 0 : index
    %get3A_1 = vector.load %arg1[%get3A, %get3A_0] : memref<1000x256xf32, #tpu.memory_space<vmem>>, vector<1000x256xf32>
    %convert_element_type3A = arith.truncf %get3A_1 : vector<1000x256xf32> to vector<1000x256xbf16>
    %get3A_2 = arith.constant 0 : index
    %get3A_3 = arith.constant 0 : index
    %get3A_4 = vector.load %arg3[%get3A_2, %get3A_3] : memref<256x512xf32, #tpu.memory_space<vmem>>, vector<256x512xf32>
    %convert_element_type3A_5 = arith.truncf %get3A_4 : vector<256x512xf32> to vector<256x512xbf16>
    %dot_general3A = arith.constant dense<0.000000e+00> : vector<1000x512xf32>
    %dot_general3A_6 = tpu.matmul %convert_element_type3A, %convert_element_type3A_5, %dot_general3A {dimension_numbers = #tpu.dot_dimension_numbers<[1], [0], [0], [1], [0, 0, 1, 1], [], []>, transpose_lhs_hint = false} : vector<1000x256xbf16>, vector<256x512xbf16>, vector<1000x512xf32> -> vector<1000x512xf32>
    %get3A_7 = arith.constant 0 : index
    %get3A_8 = arith.constant 0 : index
    %get3A_9 = vector.load %arg4[%get3A_7, %get3A_8] : memref<1x512xf32, #tpu.memory_space<vmem>>, vector<1x512xf32>
    %add3A = vector.broadcast %get3A_9 : vector<1x512xf32> to vector<1000x512xf32>
    %add3A_10 = arith.addf %dot_general3A_6, %add3A : vector<1000x512xf32>
    %max3A = arith.constant 0.000000e+00 : f32
    %max3A_11 = vector.broadcast %max3A : f32 to vector<1000x512xf32>
    %max3A_12 = arith.maximumf %add3A_10, %max3A_11 : vector<1000x512xf32>
    %convert_element_type3A_13 = arith.truncf %max3A_12 : vector<1000x512xf32> to vector<1000x512xbf16>
    %get3A_14 = arith.constant 0 : index
    %get3A_15 = arith.constant 0 : index
    %get3A_16 = vector.load %arg5[%get3A_14, %get3A_15] : memref<512x256xf32, #tpu.memory_space<vmem>>, vector<512x256xf32>
    %convert_element_type3A_17 = arith.truncf %get3A_16 : vector<512x256xf32> to vector<512x256xbf16>
    %dot_general3A_18 = arith.constant dense<0.000000e+00> : vector<1000x256xf32>
    %dot_general3A_19 = tpu.matmul %convert_element_type3A_13, %convert_element_type3A_17, %dot_general3A_18 {dimension_numbers = #tpu.dot_dimension_numbers<[1], [0], [0], [1], [0, 0, 1, 1], [], []>, transpose_lhs_hint = false} : vector<1000x512xbf16>, vector<512x256xbf16>, vector<1000x256xf32> -> vector<1000x256xf32>
    %get3A_20 = arith.constant 0 : index
    %get3A_21 = arith.constant 0 : index
    %get3A_22 = vector.load %arg6[%get3A_20, %get3A_21] : memref<1x256xf32, #tpu.memory_space<vmem>>, vector<1x256xf32>
    %add3A_23 = vector.broadcast %get3A_22 : vector<1x256xf32> to vector<1000x256xf32>
    %add3A_24 = arith.addf %dot_general3A_19, %add3A_23 : vector<1000x256xf32>
    %reduce_sum3A = arith.constant dense<0.000000e+00> : vector<1000xf32>
    %reduce_sum3A_25 = vector.multi_reduction <add>, %add3A_24, %reduce_sum3A [1] : vector<1000x256xf32> to vector<1000xf32>
    %broadcast_in_dim3A = vector.shape_cast %reduce_sum3A_25 : vector<1000xf32> to vector<1000x1xf32>
    %div3A = arith.constant 2.560000e+02 : f32
    %div3A_26 = vector.broadcast %div3A : f32 to vector<1000x1xf32>
    %div3A_27 = arith.divf %broadcast_in_dim3A, %div3A_26 : vector<1000x1xf32>
    %sub3A = vector.broadcast %div3A_27 : vector<1000x1xf32> to vector<1000x256xf32>
    %sub3A_28 = arith.subf %add3A_24, %sub3A : vector<1000x256xf32>
    %mul3A = arith.mulf %sub3A_28, %sub3A_28 : vector<1000x256xf32>
    %reduce_sum3A_29 = arith.constant dense<0.000000e+00> : vector<1000xf32>
    %reduce_sum3A_30 = vector.multi_reduction <add>, %mul3A, %reduce_sum3A_29 [1] : vector<1000x256xf32> to vector<1000xf32>
    %broadcast_in_dim3A_31 = vector.shape_cast %reduce_sum3A_30 : vector<1000xf32> to vector<1000x1xf32>
    %div3A_32 = arith.constant 2.560000e+02 : f32
    %div3A_33 = vector.broadcast %div3A_32 : f32 to vector<1000x1xf32>
    %div3A_34 = arith.divf %broadcast_in_dim3A_31, %div3A_33 : vector<1000x1xf32>
    %add3A_35 = arith.constant 9.99999974E-6 : f32
    %add3A_36 = vector.broadcast %add3A_35 : f32 to vector<1000x1xf32>
    %add3A_37 = arith.addf %div3A_34, %add3A_36 : vector<1000x1xf32>
    %rsqrt3A = math.rsqrt %add3A_37 : vector<1000x1xf32>
    %mul3A_38 = vector.broadcast %rsqrt3A : vector<1000x1xf32> to vector<1000x256xf32>
    %mul3A_39 = arith.mulf %sub3A_28, %mul3A_38 : vector<1000x256xf32>
    %get3A_40 = arith.constant 0 : index
    %get3A_41 = arith.constant 0 : index
    %get3A_42 = vector.load %arg7[%get3A_40, %get3A_41] : memref<1x256xf32, #tpu.memory_space<vmem>>, vector<1x256xf32>
    %mul3A_43 = vector.broadcast %get3A_42 : vector<1x256xf32> to vector<1000x256xf32>
    %mul3A_44 = arith.mulf %mul3A_39, %mul3A_43 : vector<1000x256xf32>
    %get3A_45 = arith.constant 0 : index
    %get3A_46 = arith.constant 0 : index
    %get3A_47 = vector.load %arg8[%get3A_45, %get3A_46] : memref<1x256xf32, #tpu.memory_space<vmem>>, vector<1x256xf32>
    %add3A_48 = vector.broadcast %get3A_47 : vector<1x256xf32> to vector<1000x256xf32>
    %add3A_49 = arith.addf %mul3A_44, %add3A_48 : vector<1000x256xf32>
    %mul3A_50 = arith.constant 0.00999999977 : f32
    %mul3A_51 = vector.broadcast %mul3A_50 : f32 to vector<1000x256xf32>
    %mul3A_52 = arith.mulf %add3A_49, %mul3A_51 : vector<1000x256xf32>
    %max3A_53 = arith.constant 0.000000e+00 : f32
    %max3A_54 = vector.broadcast %max3A_53 : f32 to vector<1000x256xf32>
    %max3A_55 = arith.maximumf %mul3A_52, %max3A_54 : vector<1000x256xf32>
    %get3A_56 = arith.constant 0 : index
    %get3A_57 = arith.constant 0 : index
    %get3A_58 = vector.load %arg2[%get3A_56, %get3A_57] : memref<1000x256xf32, #tpu.memory_space<vmem>>, vector<1000x256xf32>
    %add3A_59 = arith.addf %max3A_55, %get3A_58 : vector<1000x256xf32>
    %swap3A = arith.constant 0 : index
    %swap3A_60 = arith.constant 0 : index
    %swap3A_61 = vector.load %arg9[%swap3A, %swap3A_60] : memref<1000x256xf32, #tpu.memory_space<vmem>>, vector<1000x256xf32>
    tpu.vector_store %arg9[%swap3A, %swap3A_60], %add3A_59 {strides = array<i32>} : memref<1000x256xf32, #tpu.memory_space<vmem>>, vector<1000x256xf32>,
    return
  }
  func.func @transform_0(%arg0: i32) -> (i32, i32) {
    %c0_i32 = arith.constant 0 : i32
    %c0_i32_0 = arith.constant 0 : i32
    return %arg0, %c0_i32 : i32, i32
  }
  func.func @transform_1(%arg0: i32) -> (i32, i32) {
    %c0_i32 = arith.constant 0 : i32
    %c0_i32_0 = arith.constant 0 : i32
    return %arg0, %c0_i32 : i32, i32
  }
  func.func @transform_2(%arg0: i32) -> (i32, i32) {
    %c0_i32 = arith.constant 0 : i32
    %c0_i32_0 = arith.constant 0 : i32
    %c0_i32_1 = arith.constant 0 : i32
    return %c0_i32, %c0_i32_0 : i32, i32
  }
  func.func @transform_3(%arg0: i32) -> (i32, i32) {
    %c0_i32 = arith.constant 0 : i32
    %c0_i32_0 = arith.constant 0 : i32
    %c0_i32_1 = arith.constant 0 : i32
    return %c0_i32, %c0_i32_0 : i32, i32
  }
  func.func @transform_4(%arg0: i32) -> (i32, i32) {
    %c0_i32 = arith.constant 0 : i32
    %c0_i32_0 = arith.constant 0 : i32
    %c0_i32_1 = arith.constant 0 : i32
    return %c0_i32, %c0_i32_0 : i32, i32
  }
  func.func @transform_5(%arg0: i32) -> (i32, i32) {
    %c0_i32 = arith.constant 0 : i32
    %c0_i32_0 = arith.constant 0 : i32
    %c0_i32_1 = arith.constant 0 : i32
    return %c0_i32, %c0_i32_0 : i32, i32
  }
  func.func @transform_6(%arg0: i32) -> (i32, i32) {
    %c0_i32 = arith.constant 0 : i32
    %c0_i32_0 = arith.constant 0 : i32
    %c0_i32_1 = arith.constant 0 : i32
    return %c0_i32, %c0_i32_0 : i32, i32
  }
  func.func @transform_7(%arg0: i32) -> (i32, i32) {
    %c0_i32 = arith.constant 0 : i32
    %c0_i32_0 = arith.constant 0 : i32
    %c0_i32_1 = arith.constant 0 : i32
    return %c0_i32, %c0_i32_0 : i32, i32
  }
  func.func @transform_8(%arg0: i32) -> (i32, i32) {
    %c0_i32 = arith.constant 0 : i32
    %c0_i32_0 = arith.constant 0 : i32
    return %arg0, %c0_i32 : i32, i32
  }
}

</mosaic_0001>

<sc_bundles>
// kernel: kernel.4.cloned.1.call-start
scs
__scs_entry_jumppad:
0x0: {  	(pc) =	sbr.rel $0x88, $3  }
0x1: {  	(tag) =	ssettag $0x0;
	lr =	simm.s32 $0x1  }
0x2: {  	[smem:$0x3F98] =	sst lr;
	_ =	strace $0xD0000000  }
0x3: {  	_ = 	snop  }
0x4: {  	_ = 	snop  }
0x5: {  	_ = 	snop  }
0x6: {  	_ = 	snop  }
0x7: {  	_ = 	snop  }
__scs_overlays_trampoline_lowered:
0x8: {  	[smem:$0x3FA7] =	sst s0  }
0x9: {  	[smem:$0x3FA8] =	sst s1  }
0xa: {  	[smem:$0x3FA9] =	sst s2  }
0xb: {  	[smem:$0x3FAA] =	sst s3  }
0xc: {  	[smem:$0x3FAB] =	sst s4  }
0xd: {  	[smem:$0x3FAC] =	sst s5  }
0xe: {  	[smem:$0x3FAD] =	sst s6  }
0xf: {  	[smem:$0x3FAE] =	sst s7  }
0x10: {  	[smem:$0x3FAF] =	sst s8  }
0x11: {  	[smem:$0x3FB0] =	sst s9;
	s0 =	simm.s32 @!p0 $0x0  }
0x12: {  	s1 =	sld [smem:$0x3F96];
	s0 =	simm.s32 @p0 $0x1  }
0x13: {  	[smem:$0x3FB1] =	sst s0;
	s0 =	simm.s32 @!p1 $0x0  }
0x14: {  	s2 =	sld [smem:$0x3F95];
	s0 =	simm.s32 @p1 $0x1  }
0x15: {  	[smem:$0x3FB2] =	sst s0;
	s0 =	simm.s32 @!p2 $0x0  }
0x16: {  	s3 =	sld [smem:$0x3FDB];
	s0 =	simm.s32 @p2 $0x1  }
0x17: {  	s4 =	simm.s32 $0x1BF5;
	[smem:$0x3FB4] =	sst s0  }
0x18: {  	s0 =	sld [smem:$0x3F97];
	_ =	swait.ge [sflag:s4], $0x0  }
0x19: {  	s7 =	sld [smem:$0x3F98]  }
0x1a: {  	s8 =	sadd.s32 $0xFFFFE003, lr  }
0x1b: {  	s9 =	sadd.s32 $0xFFFFFEF7, lr;
	s5 =	simm.s32 $0xFFFFFFFF;
	p2 =	slt.u32 s8, $0xFFFFF086  }
0x1c: {  	p1 =	slt.u32 s9, $0xF7A;
	s5 =	simm.s32 @!p2 $0x0  }
0x1d: {  	s5 =	simm.s32 @p1 $0x1;
	p0 =	seq.s32 s7, s2  }
0x1e: {  	s7 =	smul.u32 @!p0 $0xF7A, s2;
	p2 =	seq.s32 @!p0 s5, $0x0  }
0x1f: {  	s9 =	smul.u32 $0xF7A, s1;
	s8 =	simm.s32 @!p0 $0x1BF5;
	p2 =	por !p2, p0  }
0x20: {  	[sflag:s8] =	ssyncset.s32 @!p0 $0xFFFFF086;
	s6 =	sadd.s32 @!p0 s3, s7;
	s7 =	simm.s32 @!p0 $0x108  }
0x21: {  	s3 =	sadd.s32 s3, s9;
	s6 =	sadd.s32 @!p0 $0x88, s6;
	s7 =	simm.s32 @p2 $0x1082  }
0x22: {  	[simem:s7], [sflag:s8] =	dma.local @!p0 [hbm:s6], $0xF7A  }
0x23: {  	s9 =	sor.u32 $0xD0000000, s2;
	s6 =	simm.s32 $0x108;
	_ =	swait.ge @!p0 [sflag:s8], $0x0  }
0x24: {  	s3 =	sadd.s32 $0x88, s3;
	s6 =	simm.s32 @!p1 $0x1082;
	[sflag:s4] =	ssyncset.s32 $0xFFFFF086  }
0x25: {  	[simem:s6], [sflag:s4] =	dma.local [hbm:s3], $0xF7A  }
0x26: {  	[smem:$0x3F98] =	sst s1;
	(tag) =	ssettag s2;
	_ =	strace s9  }
0x27: {  	s1 =	sld [smem:$0x3FA8]  }
0x28: {  	s2 =	sld [smem:$0x3FA9]  }
0x29: {  	s4 =	sld [smem:$0x3FAB]  }
0x2a: {  	p0 =	seq.s32 s5, $0x0;
	s5 =	sld [smem:$0x3FAC]  }
0x2b: {  	s6 =	sld [smem:$0x3FAD]  }
0x2c: {  	s7 =	sld [smem:$0x3FAE]  }
0x2d: {  	s3 =	simm.s32 $0x108;
	s8 =	sld [smem:$0x3FAF]  }
0x2e: {  	s3 =	simm.s32 @!p0 $0x1082;
	s9 =	sld [smem:$0x3FB0]  }
0x2f: {  	lr =	sadd.s32 s0, s3;
	s0 =	sld [smem:$0x3FA7]  }
0x30: {  	s3 =	sld [smem:$0x3FAA]  }
0x31: {  	[smem:$0x3FB3] =	sst s10  }
0x32: {  	s10 =	sld [smem:$0x3FB1];
	_ =	sdelay $0x3  }
0x33: {  	p0 =	seq.s32 s10, $0x1;
	s10 =	sld [smem:$0x3FB3];
	_ =	sdelay $0x3  }
0x34: {  	[smem:$0x3FB3] =	sst s10  }
0x35: {  	s10 =	sld [smem:$0x3FB2];
	_ =	sdelay $0x3  }
0x36: {  	p1 =	seq.s32 s10, $0x1;
	s10 =	sld [smem:$0x3FB3];
	_ =	sdelay $0x3  }
0x37: {  	[smem:$0x3FB3] =	sst s10  }
0x38: {  	s10 =	sld [smem:$0x3FB4]  }
0x39: {  	_ = 	snop;
	(pc) =	sbr.ind lr, $3  }
0x3a: {  	_ = 	snop  }
0x3b: {  	_ = 	snop  }
0x3c: {  	p2 =	seq.s32 s10, $0x1;
	s10 =	sld [smem:$0x3FB3]  }
0x3d: {  	_ =	shalt  }
0x3e: {  	_ =	shalt  }
0x3f: {  	_ =	shalt  }
0x40: {  	_ =	shalt  }
0x41: {  	_ =	shalt  }
0x42: {  	_ =	shalt  }
0x43: {  	_ =	shalt  }
0x44: {  	_ =	shalt  }
0x45: {  	_ =	shalt  }
0x46: {  	_ =	shalt  }
0x47: {  	_ =	shalt  }
0x48: {  	_ =	shalt  }
0x49: {  	_ =	shalt  }
0x4a: {  	_ =	shalt  }
0x4b: {  	_ =	shalt  }
0x4c: {  	_ =	shalt  }
0x4d: {  	_ =	shalt  }
0x4e: {  	_ =	shalt  }
0x4f: {  	_ =	shalt  }
0x50: {  	_ =	shalt  }
0x51: {  	_ =	shalt  }
0x52: {  	_ =	shalt  }
0x53: {  	_ =	shalt  }
0x54: {  	_ =	shalt  }
0x55: {  	_ =	shalt  }
0x56: {  	_ =	shalt  }
0x57: {  	_ =	shalt  }
0x58: {  	_ =	shalt  }
0x59: {  	_ =	shalt  }
0x5a: {  	_ =	shalt  }
0x5b: {  	_ =	shalt  }
0x5c: {  	_ =	shalt  }
0x5d: {  	_ =	shalt  }
0x5e: {  	_ =	shalt  }
0x5f: {  	_ =	shalt  }
0x60: {  	_ =	shalt  }
0x61: {  	_ =	shalt  }
0x62: {  	_ =	shalt  }
0x63: {  	_ =	shalt  }
0x64: {  	_ =	shalt  }
0x65: {  	_ =	shalt  }
0x66: {  	_ =	shalt  }
0x67: {  	_ =	shalt  }
0x68: {  	_ =	shalt  }
0x69: {  	_ =	shalt  }
0x6a: {  	_ =	shalt  }
0x6b: {  	_ =	shalt  }
0x6c: {  	_ =	shalt  }
0x6d: {  	_ =	shalt  }
0x6e: {  	_ =	shalt  }
0x6f: {  	_ =	shalt  }
0x70: {  	_ =	shalt  }
0x71: {  	_ =	shalt  }
0x72: {  	_ =	shalt  }
0x73: {  	_ =	shalt  }
0x74: {  	_ =	shalt  }
0x75: {  	_ =	shalt  }
0x76: {  	_ =	shalt  }
0x77: {  	_ =	shalt  }
0x78: {  	_ =	shalt  }
0x79: {  	_ =	shalt  }
0x7a: {  	_ =	shalt  }
0x7b: {  	_ =	shalt  }
0x7c: {  	_ =	shalt  }
0x7d: {  	_ =	shalt  }
0x7e: {  	_ =	shalt  }
0x7f: {  	_ =	shalt  }
0x80: {  	_ =	shalt  }
0x81: {  	_ =	shalt  }
0x82: {  	_ =	shalt  }
0x83: {  	_ =	shalt  }
0x84: {  	_ =	shalt  }
0x85: {  	_ =	shalt  }
0x86: {  	_ =	shalt  }
0x87: {  	_ =	shalt  }
.Lfunc_end0:
.L_simem_size_0:
called_computation_lowered:
.L_overlay_start_0:
0x88: {  	s2 =	sld [smem:$0x3FD9]  }
0x89: {  	s3 =	sld [smem:$0x3FFE];
	_ =	sdelay $0x1  }
0x8a: {  	s1 =	srdreg.scid  }
0x8b: {  	s0 =	sand.u32 $0x1, s1  }
0x8c: {  	s17 =	sshll.u32 s0, $0xA;
	s2 =	sadd.s32 s3, s2  }
0x8d: {  	s2 =	sadd.s32 s2, s17  }
0x8e: {  	[smem:$0x3FBF] =	sst s2  }
0x8f: {  	_ = 	snop  }
0x90: {  	s2 =	sld [smem:$0x3FC8]  }
0x91: {  	s18 =	sld [smem:$0x3FD0];
	(tm) =	ssettm $0x1  }
0x92: {  	s4 =	sld [smem:$0x3FFB];
	_ =	sdelay $0x3  }
0x93: {  	_ =	strace s4  }
0x94: {  	s4 =	sld [smem:$0x3FFC];
	_ =	sdelay $0x3  }
0x95: {  	_ =	strace s4  }
0x96: {  	s4 =	sld [smem:$0x3FFD];
	_ =	sdelay $0x3  }
0x97: {  	_ =	strace s4  }
0x98: {  	_ =	strace $0x8FFFFFFF  }
0x99: {  	s19 =	sld [smem:$0x3FDB];
	_ =	sdelay $0x1  }
0x9a: {  	s5 =	simm.s32 $_scs_section_size  }
0x9b: {  	s6 =	simm.s32 $_size__tile_overlayer_lowered;
	s7 =	simm.s32 $_tile_overlayer_lowered  }
0x9c: {  	s22 =	simm.s32 $0x1BFF;
	s21 =	sshll.u32 s7, $0x1;
	s4 =	sadd.s32 s5, s19  }
0x9d: {  	s8 =	simm.s32 $0x0;
	s20 =	sshll.u32 s6, $0x1;
	s6 =	sadd.s32 s21, s4  }
0x9e: {  	[timem:s8], [sflag:s22] =	dma.local [hbm:s6], s20  }
0x9f: {  	_ =	swait.ge [sflag:s22], s20  }
0xa0: {  	s5 =	ssub.s32 $0x0, s20;
	[sflag:s22] =	ssyncset.done $0x0  }
0xa1: {  	[sflag:s22] =	ssyncadd.s32 s5;
	_ =	sdelay $0x1  }
0xa2: {  	s23 =	simm.s32 $0x1B8B  }
0xa3: {  	_ =	swait.ge [sflag:s23], $0x1  }
0xa4: {  	[sflag:s23] =	ssyncset.done $0x0  }
0xa5: {  	s25 =	simm.s32 $0x1B8E;
	s24 =	sld [smem:$0x3FFE];
	[sflag:s23] =	ssyncadd.s32 $0xFFFFFFFF  }
0xa6: {  	s26 =	simm.s32 $execute0_lowered;
	[smem:$0x3FD2] =	sst s25  }
0xa7: {  	s6 =	sshll.u32 s26, $0x1;
	_ =	strace $0x80000046;
	[dreg:$0x1] =	wrdreg $0xFFFFFFFF  }
0xa8: {  	s28 =	simm.s32 $_size_execute0_lowered;
	s4 =	sadd.s32 s4, s6;
	[dreg:$0x0] =	wrdreg $0x0  }
0xa9: {  	s6 =	sshll.u32 s28, $0x1;
	[dreg:$0x2] =	wrdreg s4  }
0xaa: {  	[dreg:$0x3] =	wrdreg s6  }
0xab: {  	[dreg:$0x4] =	wrdreg $0xC0  }
0xac: {  	_ =	task [dreg:s8], $0x5FFFF  }
0xad: {  	[dreg:$0x1] =	wrdreg $0xFFFFFFFF  }
0xae: {  	[dreg:$0x0] =	wrdreg $0x60  }
0xaf: {  	[dreg:$0x2] =	wrdreg s18  }
0xb0: {  	[dreg:$0x3] =	wrdreg s2  }
0xb1: {  	[dreg:$0x4] =	wrdreg s24  }
0xb2: {  	[dreg:$0x5] =	wrdreg $0xA2000  }
0xb3: {  	[dreg:$0x6] =	wrdreg $0x9  }
0xb4: {  	_ =	task.clear_ibuf [dreg:s8], $0x7FFFF;
	_ =	strace $0x90000046  }
0xb5: {  	s29 =	simm.s32 $0x9;
	_ =	strace $0x80000048  }
0xb6: {  	_ =	swait.ge [sflag:s29], $0x1  }
0xb7: {  	[sflag:s29] =	ssyncadd.s32 $0xFFFFFFFF  }
0xb8: {  	_ =	strace $0x90000048  }
0xb9: {  	_ =	sfence  }
0xba: {  	s30 =	sld [smem:$0x0];
	_ =	sdelay $0x2  }
0xbb: {  	s31 =	sshll.u32 s1, $0xD;
	s1 =	sshrl.u32 s1, $0x2  }
0xbc: {  	s3 =	sand.u32 $0x4000, s31;
	s1 =	sadd.s32 s1, s30  }
0xbd: {  	s0 =	sor.u32 s3, s0;
	s1 =	sshll.u32 s1, $0x11  }
0xbe: {  	s0 =	sor.u32 s1, s0  }
0xbf: {  	s0 =	sadd.s32 $0x8F2B, s0  }
0xc0: {  	[sflag:s0] =	ssyncadd.remote.s32 $0x1  }
0xc1: {  	_ =	sfence.sel $0xFFFF  }
0xc2: {  	[dreg:$0x0] =	wrdreg $0xFFFFFFFF;
	(pc) =	sbr.abs _section_cstart, $3  }
0xc3: {  	[dreg:$0x1] =	wrdreg $0xFFFFFFFF  }
0xc4: {  	_ =	task.clear_ibuf [dreg:s8], $0x2FFFF;
	_ =	strace $0x9FFFFFFF  }
0xc5: {  	(tm) =	ssettm $0x7FFFFFFF  }
tec
execute0_lowered:
.L_overlay_start_1:
0x0: {  	(tag) =	ssettag $0x1  }
0x1: {  	s1 =	rddreg [dreg:$0x0]  }
0x2: {  	s3 =	rddreg [dreg:$0x1]  }
0x3: {  	s20 =	stileid.u32;
	s0 =	rddreg [dreg:$0x2]  }
0x4: {  	s4 =	rddreg [dreg:$0x3];
	s5 =	srdreg.scid  }
0x5: {  	s7 =	simm.s32 $0x0;
	s30 =	simm.s32 $0x2A00;
	s31 =	simm.s32 $0x1  }
0x6: {  	s2 =	smul.u32 $0xF, s20;
	s8 =	smin.u32 s20, $0xA;
	s5 =	sand.u32 $0x1, s5  }
0x7: {  	[smem:$0x7FF] =	sst s7;
	s10 =	sadd.s32 $0x5C00, s0;
	s17 =	smul.u32 $0x3E, s20  }
0x8: {  	s11 =	sadd.s32 $0xC00, s0;
	s13 =	smin.u32 s20, $0x8;
	s26 =	smul.u32 $0x4B000, s20  }
0x9: {  	p0 =	slt.u32 s20, $0xA;
	s2 =	sadd.s32 s8, s2;
	s8 =	smul.u32 $0x5000, s8  }
0xa: {  	s7 =	simm.s32 $0x7E;
	s14 =	sadd.s32 s13, s17;
	s6 =	smul.u32 $0x2800, s2  }
0xb: {  	s9 =	sshll.u32 s5, $0xA;
	s12 =	ssub.s32 $0x2, s5;
	s16 =	smul.u32 $0xA0, s14  }
0xc: {  	_ =	strace $0x80000047;
	s15 =	sshrl.u32 s12, $0x1;
	s17 =	smul.u32 $0x14, s14  }
0xd: {  	v0 =	vmov s5;
	s5 =	simm.s32 $0x3;
	s12 =	ssub.s32 s12, s15;
	s14 =	smul.u32 $0xA000, s14  }
0xe: {  	s2 =	smul.u32 $0x5000, s2;
	s8 =	sadd.s32 s8, s26;
	s6 =	sor.u32 s9, s6  }
0xf: {  	s18 =	sadd.s32 $0x50, s16;
	s19 =	sadd.s32 s10, s17;
	s21 =	sadd.s32 s11, s17  }
0x10: {  	s14 =	sor.u32 s9, s14;
	s2 =	sshrl.u32 s2, $0x2;
	[dreg:$0x9] =	wrdreg s19  }
0x11: {  	s6 =	sshrl.u32 s6, $0x3;
	s16 =	sshrl.u32 s18, $0x3;
	[dreg:$0xa] =	wrdreg s21  }
0x12: {  	s15 =	sshll.u32 s18, $0x8;
	s14 =	sshrl.u32 s14, $0x3;
	s18 =	smul.u32 $0xA000, s13  }
0x13: {  	s19 =	smax.u32 s12, $0x1;
	s0 =	sadd.s32 s6, s0;
	s6 =	simm.s32 $0x10  }
0x14: {  	s22 =	sadd.s32 s10, s16;
	s23 =	sadd.s32 s11, s16;
	s15 =	sor.u32 s9, s15  }
0x15: {  	s24 =	sadd.s32 s3, s14;
	s14 =	sadd.s32 s2, s4;
	[dreg:$0xf] =	wrdreg s19  }
0x16: {  	s2 =	sshrl.u32 s8, $0x2;
	s6 =	simm.s32 @!p0 $0xF;
	[dreg:$0xb] =	wrdreg s22  }
0x17: {  	p0 =	slt.u32 s20, $0x8;
	[dreg:$0xc] =	wrdreg s23;
	s15 =	sshrl.u32 s15, $0x3  }
0x18: {  	[dreg:$0xd] =	wrdreg s24;
	s22 =	smul.u32 $0x4D8, s20;
	s17 =	sadd.s32 s2, s4  }
0x19: {  	s23 =	smul.u32 $0x14, s13;
	s2 =	simm.s32 $0x50;
	[dreg:$0x8] =	wrdreg s6  }
0x1a: {  	s7 =	simm.s32 @!p0 $0x7C;
	s25 =	sadd.s32 s3, s15;
	s6 =	smul.u32 $0x26C000, s20  }
0x1b: {  	s15 =	sadd.s32 $0xAC00, s0;
	p0 =	sgt.u32 s20, $0x9;
	s0 =	simm.s32 $0x2  }
0x1c: {  	[dreg:$0xe] =	wrdreg s25;
	s28 =	sshrl.u32 s7, $0x1;
	s29 =	sadd.s32 $0xFFFFFFFF, s7  }
0x1d: {  	s24 =	sadd.s32 s22, s10;
	s25 =	sadd.s32 s22, s11;
	s22 =	simm.s32 $0x200  }
0x1e: {  	[dreg:$0x5] =	wrdreg s29;
	s21 =	smul.u32 $0x14, s28;
	s8 =	sadd.s32 s18, s6  }
0x1f: {  	s18 =	sadd.s32 s23, s24;
	s19 =	sadd.s32 s23, s25;
	s23 =	simm.s32 $0x5  }
0x20: {  	s29 =	simm.s32 $0x7A00;
	s24 =	simm.s32 $0x100;
	s8 =	sor.u32 s9, s8  }
0x21: {  	s25 =	simm.s32 $0x5200;
	[dreg:$0x7] =	wrdreg s29;
	s9 =	sadd.s32 $0xF000, s8  }
0x22: {  	[dreg:$0x6] =	wrdreg s21;
	s26 =	sadd.s32 $0xA000, s8;
	s9 =	sshrl.u32 s9, $0x3  }
0x23: {  	s8 =	simm.s32 $0x4;
	[dreg:$0x10] =	wrdreg s26;
	s28 =	sadd.s32 s9, s3  }
0x24: {  	v1 =	vimm.f32 $0.0e+00;
	s26 =	simm.s32 $0x180;
	s9 =	simm.s32 $0x0;
	[dreg:$0x11] =	wrdreg s28  }
.LBB2_1:
0x25: {  	s6 =	simm.s32 $0x0  }
0x26: {  	s10 =	sand.u32 $0x7E00, s6  }
0x27: {  	s13 =	sand.u32 $0x70, s6;
	s16 =	sshrl.u32 s10, $0x2  }
0x28: {  	s10 =	simm.s32 $0x40;
	s16 =	sor.u32 s13, s16;
	s13 =	simm.s32 $0x0  }
.LBB2_2:
0x29: {  	p1 =	sne.s32 s10, $0x4FC0  }
0x2a: {  	[tilespmem:s16+$0x200] =	vst v1;
	s13 =	sadd.s32 $0x10, s13;
	s16 =	smov.u32 s10;
	s10 =	sadd.s32 $0x40, s10  }
.Ltmp0:
0x2b: {  	(pc) =	sbr.rel @p1 .LBB2_2-.Ltmp0, $4  }
0x2c: {  	_ = 	snop  }
0x2d: {  	s16 =	sand.u32 $0x7E00, s16  }
0x2e: {  	s20 =	sand.u32 $0x70, s13;
	s16 =	sshrl.u32 s16, $0x2  }
0x2f: {  	s16 =	sor.u32 s20, s16  }
0x30: {  	s6 =	rddreg [dreg:$0x8]  }
0x31: {  	p1 =	sne.s32 s6, $0x1  }
.Ltmp1:
0x32: {  	_ = 	snop;
	(pc) =	sbr.rel @!p1 .LBB2_5-.Ltmp1, $4  }
0x33: {  	[tilespmem:s16+$0x200] =	vst v1  }
0x34: {  	[spmem:s17] =	stream.linear.scatter [tilespmem:s22], [sflag:$0x5], $0x1400, $0x38;
	[tilespmem:$0x1DA80] =	vst v63  }
0x35: {  	_ =	swait.ge [sflag:s23], $0x1400  }
0x36: {  	s13 =	smov.u32 s17;
	s10 =	sadd.s32 $0xFFFFFFFF, s6;
	[sflag:s23] =	ssyncset.done $0x0  }
.LBB2_4:
0x37: {  	p1 =	sne.s32 s10, $0x1;
	[sflag:s23] =	ssyncadd.s32 $0xFFFFEC00;
	s13 =	sadd.s32 $0x1400, s13  }
.Ltmp2:
0x38: {  	s10 =	sadd.s32 $0xFFFFFFFF, s10;
	(pc) =	sbr.rel @p1 .LBB2_4-.Ltmp2, $4  }
0x39: {  	_ = 	snop  }
0x3a: {  	[spmem:s13] =	stream.linear.scatter [tilespmem:s22], [sflag:$0x5], $0x1400, $0x38;
	[tilespmem:$0x1DA80] =	vst v63  }
0x3b: {  	_ =	swait.ge [sflag:s23], $0x1400  }
0x3c: {  	[sflag:s23] =	ssyncset.done $0x0  }
.LBB2_5:
0x3d: {  	[sflag:s23] =	ssyncadd.s32 $0xFFFFEC00  }
0x3e: {  	[bflag:$0x0] =	sbarrier.arrive $0xFFFF  }
0x3f: {  	s10 =	simm.s32 $0x0;
	s6 =	rddreg [dreg:$0x9]  }
0x40: {  	[tilespmem:s10], [sflag:$0x1] =	stream.linear.gather [hbm4b:s6+s10], $0x50, $0x38;
	[tilespmem:$0x1DA80] =	vst v63  }
0x41: {  	s13 =	rddreg [dreg:$0xa]  }
0x42: {  	[tilespmem:s24], [sflag:$0x1] =	stream.linear.gather [hbm4b:s13+s10], $0x50, $0x38;
	[tilespmem:$0x1DA80] =	vst v63  }
0x43: {  	s11 =	simm.s32 $0x80;
	s16 =	rddreg [dreg:$0xb]  }
0x44: {  	[tilespmem:s11], [sflag:$0x1] =	stream.linear.gather [hbm4b:s16+s10], $0x50, $0x38;
	[tilespmem:$0x1DA80] =	vst v63  }
0x45: {  	s20 =	rddreg [dreg:$0xc]  }
0x46: {  	[tilespmem:s26], [sflag:$0x1] =	stream.linear.gather [hbm4b:s20+s10], $0x50, $0x38;
	[tilespmem:$0x1DA80] =	vst v63  }
0x47: {  	s28 =	simm.s32 $0x400;
	s12 =	simm.s32 $0x800;
	s21 =	rddreg [dreg:$0xd]  }
0x48: {  	[tilespmem:s22], [sflag:$0x2] =	stream.strided.gather [hbm4b:s21+s28], $0x2800, s12, s28, $0x38;
	[tilespmem:$0x1DA80] =	vst v63  }
0x49: {  	s29 =	rddreg [dreg:$0xe]  }
0x4a: {  	[tilespmem:s30], [sflag:$0x2] =	stream.strided.gather [hbm4b:s29+s28], $0x2800, s12, s28, $0x38;
	[tilespmem:$0x1DA80] =	vst v63  }
0x4b: {  	_ =	swait.ge [sflag:s31], $0x50  }
0x4c: {  	[sflag:s31] =	ssyncset.done $0x0  }
0x4d: {  	[sflag:s31] =	ssyncadd.s32 $0xFFFFFFB0  }
0x4e: {  	_ =	swait.ge [sflag:s31], $0x50  }
0x4f: {  	[sflag:s31] =	ssyncset.done $0x0  }
0x50: {  	[sflag:s31] =	ssyncadd.s32 $0xFFFFFFB0  }
0x51: {  	v2 =	vld [tilespmem:$0x0]  }
0x52: {  	v3 =	vld [tilespmem:$0x10]  }
0x53: {  	v4 =	vld [tilespmem:$0x20]  }
0x54: {  	v5 =	vld [tilespmem:$0x30]  }
0x55: {  	v6 =	vld [tilespmem:$0x40]  }
0x56: {  	v2 =	vshll.u32 v2, $0x1  }
0x57: {  	v3 =	vshll.u32 v3, $0x1;
	v2 =	vor.u32 v0, v2  }
0x58: {  	[tilespmem:$0x0] =	vst v2;
	v2 =	vor.u32 v0, v3;
	v3 =	vshll.u32 v4, $0x1  }
0x59: {  	[tilespmem:$0x10] =	vst v2;
	v2 =	vor.u32 v0, v3;
	v3 =	vshll.u32 v5, $0x1  }
0x5a: {  	[tilespmem:$0x20] =	vst v2;
	v2 =	vor.u32 v0, v3;
	v3 =	vshll.u32 v6, $0x1  }
0x5b: {  	s21 =	rddreg [dreg:$0x11];
	[tilespmem:$0x30] =	vst v2;
	v2 =	vor.u32 v0, v3  }
0x5c: {  	s13 =	simm.s32 $0x0;
	s20 =	rddreg [dreg:$0x10];
	[tilespmem:$0x40] =	vst v2  }
0x5d: {  	[tilespmem:s25], [sflag:$0x3] =	stream.indirect.gather [hbm4b:s1+s2], $0x80, s10, s2, $0xb8;
	[tilespmem:$0x1DA80] =	vst v63  }
.LBB2_6:
0x5e: {  	s16 =	rddreg [dreg:$0x5]  }
0x5f: {  	p1 =	sge.u32 s10, s16  }
0x60: {  	s16 =	simm.s32 @!p1 $0x1  }
0x61: {  	_ =	swait.ge @!p1 [sflag:s16], $0x50  }
0x62: {  	[sflag:s16] =	ssyncset.done @!p1 $0x0  }
0x63: {  	[sflag:s16] =	ssyncadd.s32 @!p1 $0xFFFFFFB0  }
0x64: {  	_ =	swait.ge @!p1 [sflag:s16], $0x50  }
0x65: {  	[sflag:s16] =	ssyncset.done @!p1 $0x0  }
0x66: {  	[sflag:s16] =	ssyncadd.s32 @!p1 $0xFFFFFFB0  }
0x67: {  	v2 =	vld @!p1 [tilespmem:$0x80]  }
0x68: {  	v3 =	vld @!p1 [tilespmem:$0x90]  }
0x69: {  	v4 =	vld @!p1 [tilespmem:$0xA0]  }
0x6a: {  	v5 =	vld @!p1 [tilespmem:$0xB0]  }
0x6b: {  	v6 =	vld @!p1 [tilespmem:$0xC0]  }
0x6c: {  	v2 =	vshll.u32 @!p1 v2, $0x1  }
0x6d: {  	v3 =	vshll.u32 @!p1 v3, $0x1;
	v2 =	vor.u32 @!p1 v0, v2  }
0x6e: {  	[tilespmem:$0x80] =	vst @!p1 v2;
	v2 =	vor.u32 @!p1 v0, v3;
	v3 =	vshll.u32 @!p1 v4, $0x1  }
0x6f: {  	[tilespmem:$0x90] =	vst @!p1 v2;
	v2 =	vor.u32 @!p1 v0, v3;
	v3 =	vshll.u32 @!p1 v5, $0x1  }
0x70: {  	[tilespmem:$0xA0] =	vst @!p1 v2;
	v2 =	vor.u32 @!p1 v0, v3;
	v3 =	vshll.u32 @!p1 v6, $0x1  }
0x71: {  	[tilespmem:$0xB0] =	vst @!p1 v2;
	v2 =	vor.u32 @!p1 v0, v3  }
0x72: {  	s12 =	simm.s32 @!p1 $0x80;
	s11 =	simm.s32 @!p1 $0x7A00;
	s16 =	simm.s32 @!p1 $0x50;
	[tilespmem:$0xC0] =	vst @!p1 v2  }
0x73: {  	[tilespmem:s11], [sflag:$0x3] =	stream.indirect.gather @!p1 [hbm4b:s1+s16], $0x80, s12, s16, $0xb8;
	[tilespmem:$0x1DA80] =	vst v63  }
0x74: {  	_ =	swait.ge [sflag:s0], $0x2800  }
0x75: {  	[sflag:s0] =	ssyncset.done $0x0  }
0x76: {  	[sflag:s0] =	ssyncadd.s32 $0xFFFFD800  }
0x77: {  	_ =	swait.ge [sflag:s5], $0x2800  }
0x78: {  	[sflag:s5] =	ssyncset.done $0x0  }
0x79: {  	[sflag:s5] =	ssyncadd.s32 $0xFFFFD800  }
0x7a: {  	[spmem:s4] =	stream.indirect.scatter.add.f32 [tilespmem:s22], [sflag:$0x4], $0x80, s24, s2, $0xb8;
	[tilespmem:$0x1DA80] =	vst v63  }
0x7b: {  	_ = 	snop  }
0x7c: {  	[spmem:s4] =	stream.indirect.scatter.add.f32 [tilespmem:s25], [sflag:$0x5], $0x80, s24, s2, $0xb8;
	[tilespmem:$0x1DA80] =	vst v63  }
0x7d: {  	_ =	swait.ge [sflag:s23], $0x2800  }
0x7e: {  	[sflag:s23] =	ssyncset.done $0x0  }
0x7f: {  	s16 =	sadd.s32 $0x2, s10;
	[sflag:s23] =	ssyncadd.s32 $0xFFFFD800  }
0x80: {  	p1 =	sge.u32 s16, s7;
	_ =	swait.ge [sflag:s8], $0x2800  }
0x81: {  	s11 =	sadd.s32 @!p1 s13, s18;
	[sflag:s8] =	ssyncset.done $0x0  }
0x82: {  	s12 =	simm.s32 @!p1 $0x0;
	s11 =	sadd.s32 @!p1 $0x14, s11;
	[sflag:s8] =	ssyncadd.s32 $0xFFFFD800  }
0x83: {  	[tilespmem:s12], [sflag:$0x1] =	stream.linear.gather @!p1 [hbm4b:s11+s12], $0x50, $0x38;
	[tilespmem:$0x1DA80] =	vst v63  }
0x84: {  	s11 =	sadd.s32 @!p1 s13, s19  }
0x85: {  	s28 =	simm.s32 @!p1 $0x100;
	s11 =	sadd.s32 @!p1 $0x14, s11  }
0x86: {  	[tilespmem:s28], [sflag:$0x1] =	stream.linear.gather @!p1 [hbm4b:s11+s12], $0x50, $0x38;
	[tilespmem:$0x1DA80] =	vst v63  }
0x87: {  	s29 =	simm.s32 @!p1 $0x800;
	s11 =	sshrl.u32 @!p1 s20, $0x3  }
0x88: {  	s6 =	simm.s32 @!p1 $0x200;
	s28 =	simm.s32 @!p1 $0x400;
	s11 =	sadd.s32 @!p1 s3, s11  }
0x89: {  	[tilespmem:s6], [sflag:$0x2] =	stream.strided.gather @!p1 [hbm4b:s11+s28], $0x2800, s29, s28, $0x38;
	[tilespmem:$0x1DA80] =	vst v63  }
0x8a: {  	s6 =	simm.s32 @!p1 $0x1  }
0x8b: {  	_ =	swait.ge @!p1 [sflag:s6], $0x50  }
0x8c: {  	[sflag:s6] =	ssyncset.done @!p1 $0x0  }
0x8d: {  	[sflag:s6] =	ssyncadd.s32 @!p1 $0xFFFFFFB0  }
0x8e: {  	_ =	swait.ge @!p1 [sflag:s6], $0x50  }
0x8f: {  	[sflag:s6] =	ssyncset.done @!p1 $0x0  }
0x90: {  	[sflag:s6] =	ssyncadd.s32 @!p1 $0xFFFFFFB0  }
0x91: {  	v2 =	vld @!p1 [tilespmem:$0x0]  }
0x92: {  	v3 =	vld @!p1 [tilespmem:$0x10]  }
0x93: {  	v4 =	vld @!p1 [tilespmem:$0x20]  }
0x94: {  	v5 =	vld @!p1 [tilespmem:$0x30]  }
0x95: {  	v6 =	vld @!p1 [tilespmem:$0x40]  }
0x96: {  	v2 =	vshll.u32 @!p1 v2, $0x1  }
0x97: {  	v3 =	vshll.u32 @!p1 v3, $0x1;
	v2 =	vor.u32 @!p1 v0, v2  }
0x98: {  	[tilespmem:$0x0] =	vst @!p1 v2;
	v2 =	vor.u32 @!p1 v0, v3;
	v3 =	vshll.u32 @!p1 v4, $0x1  }
0x99: {  	[tilespmem:$0x10] =	vst @!p1 v2;
	v2 =	vor.u32 @!p1 v0, v3;
	v3 =	vshll.u32 @!p1 v5, $0x1  }
0x9a: {  	[tilespmem:$0x20] =	vst @!p1 v2;
	v2 =	vor.u32 @!p1 v0, v3;
	v3 =	vshll.u32 @!p1 v6, $0x1  }
0x9b: {  	[tilespmem:$0x30] =	vst @!p1 v2;
	v2 =	vor.u32 @!p1 v0, v3  }
0x9c: {  	s11 =	simm.s32 @!p1 $0x5200;
	s6 =	simm.s32 @!p1 $0x50;
	[tilespmem:$0x40] =	vst @!p1 v2  }
0x9d: {  	[tilespmem:s11], [sflag:$0x3] =	stream.indirect.gather @!p1 [hbm4b:s1+s6], $0x80, s12, s6, $0xb8;
	[tilespmem:$0x1DA80] =	vst v63  }
0x9e: {  	_ =	swait.ge [sflag:s0], $0x2800  }
0x9f: {  	[sflag:s0] =	ssyncset.done $0x0  }
0xa0: {  	[sflag:s0] =	ssyncadd.s32 $0xFFFFD800  }
0xa1: {  	_ =	swait.ge [sflag:s5], $0x2800  }
0xa2: {  	[sflag:s5] =	ssyncset.done $0x0  }
0xa3: {  	[sflag:s5] =	ssyncadd.s32 $0xFFFFD800  }
0xa4: {  	[spmem:s4] =	stream.indirect.scatter.add.f32 [tilespmem:s30], [sflag:$0x4], $0x80, s26, s2, $0xb8;
	[tilespmem:$0x1DA80] =	vst v63  }
0xa5: {  	s12 =	rddreg [dreg:$0x7]  }
0xa6: {  	[spmem:s4] =	stream.indirect.scatter.add.f32 [tilespmem:s12], [sflag:$0x5], $0x80, s26, s2, $0xb8;
	[tilespmem:$0x1DA80] =	vst v63  }
0xa7: {  	_ =	swait.ge [sflag:s23], $0x2800  }
0xa8: {  	[sflag:s23] =	ssyncset.done $0x0  }
0xa9: {  	s28 =	sadd.s32 $0x3, s10;
	[sflag:s23] =	ssyncadd.s32 $0xFFFFD800  }
0xaa: {  	p1 =	sge.u32 s28, s7;
	_ =	swait.ge [sflag:s8], $0x2800  }
0xab: {  	s6 =	sadd.s32 @!p1 s13, s18;
	s10 =	simm.s32 @!p1 $0x0;
	[sflag:s8] =	ssyncset.done $0x0  }
0xac: {  	s11 =	simm.s32 @!p1 $0x80;
	s6 =	sadd.s32 @!p1 $0x1E, s6;
	[sflag:s8] =	ssyncadd.s32 $0xFFFFD800  }
0xad: {  	[tilespmem:s11], [sflag:$0x1] =	stream.linear.gather @!p1 [hbm4b:s6+s10], $0x50, $0x38;
	[tilespmem:$0x1DA80] =	vst v63  }
0xae: {  	s29 =	rddreg [dreg:$0x6];
	s6 =	sadd.s32 @!p1 s13, s19  }
0xaf: {  	s11 =	simm.s32 @!p1 $0x180;
	s13 =	sadd.s32 $0x14, s13;
	s6 =	sadd.s32 @!p1 $0x1E, s6  }
0xb0: {  	[tilespmem:s11], [sflag:$0x1] =	stream.linear.gather @!p1 [hbm4b:s6+s10], $0x50, $0x38;
	[tilespmem:$0x1DA80] =	vst v63  }
0xb1: {  	s6 =	simm.s32 @!p1 $0x400;
	s10 =	simm.s32 @!p1 $0x800;
	s11 =	simm.s32 @!p1 $0x2A00  }
0xb2: {  	[tilespmem:s11], [sflag:$0x2] =	stream.strided.gather @!p1 [hbm4b:s21+s6], $0x2800, s10, s6, $0x38;
	[tilespmem:$0x1DA80] =	vst v63  }
0xb3: {  	p1 =	sne.s32 s29, s13  }
.Ltmp3:
0xb4: {  	_ = 	snop;
	(pc) =	sbr.rel @p1 .LBB2_6-.Ltmp3, $2  }
0xb5: {  	_ =	sdelay $0x2  }
0xb6: {  	s20 =	sadd.s32 $0xA000, s20;
	s21 =	sadd.s32 $0x1400, s21;
	s10 =	smov.u32 s16  }
0xb7: {  	s6 =	stileid.u32;
	[bflag:$0x0] =	sbarrier.arrive $0xFFFF  }
0xb8: {  	s10 =	sshrl.u32 @p0 s14, $0x3;
	s11 =	simm.s32 @p0 $0x8;
	s6 =	sshll.u32 s6, $0x6  }
0xb9: {  	s12 =	simm.s32 @p0 $0x100;
	s13 =	simm.s32 @p0 $0x80;
	s6 =	sor.u32 $0x1C05, s6  }
0xba: {  	[hbm:s15@s12], [sflag:s6] =	dma.strided @p0 [spmem:s10@s13], $0x2580, s11, $0x10   }
0xbb: {  	s10 =	simm.s32 @p0 $0x5  }
0xbc: {  	_ =	swait.ge @p0 [sflag:s10], $0x2580  }
0xbd: {  	s11 =	simm.s32 @!p0 $0x8;
	s12 =	simm.s32 @!p0 $0x100;
	[sflag:s10] =	ssyncset.done @p0 $0x0  }
0xbe: {  	s13 =	simm.s32 @!p0 $0x80;
	[sflag:s10] =	ssyncadd.s32 @p0 $0xFFFFDA80;
	s10 =	sshrl.u32 @!p0 s14, $0x3  }
0xbf: {  	[hbm:s15@s12], [sflag:s6] =	dma.strided @!p0 [spmem:s10@s13], $0x2800, s11, $0x10   }
0xc0: {  	s6 =	simm.s32 @!p0 $0x5  }
0xc1: {  	_ =	swait.ge @!p0 [sflag:s6], $0x2800  }
0xc2: {  	s9 =	sadd.s32 $0x1, s9;
	s29 =	rddreg [dreg:$0xf]  }
0xc3: {  	p1 =	sne.s32 s9, s29  }
.Ltmp4:
0xc4: {  	_ = 	snop;
	(pc) =	sbr.rel @p1 .LBB2_1-.Ltmp4, $3  }
0xc5: {  	_ =	sdelay $0x1  }
0xc6: {  	[sflag:s6] =	ssyncset.done @!p0 $0x0  }
0xc7: {  	[sflag:s6] =	ssyncadd.s32 @!p0 $0xFFFFD800  }
0xc8: {  	_ =	sfence.sel $0x180000  }
0xc9: {  	[bflag:$0x0] =	sbarrier.arrive $0xFFFF  }
0xca: {  	_ =	strace $0x90000047  }
0xcb: {  	s0 =	stileid.u32;
	[bflag:$0x2] =	sbarrier.arrive $0xFFFF  }
0xcc: {  	p0 =	sne.s32 s0, $0x0;
	s0 =	rddreg [dreg:$0x4]  }
0xcd: {  	s0 =	sadd.s32 @!p0 $0x100000, s0  }
0xce: {  	[sflag:s0] =	ssyncadd.tile.s32 @!p0 $0x1;
	_ =	shalt  }
.Lfunc_end2:
_tile_overlayer_lowered:
.L_overlay_start_2:
0xcf: {  	(tag) =	ssettag $0x2  }
0xd0: {  	s0 =	rddreg [dreg:$0x0];
	s2 =	stileid.u32  }
0xd1: {  	s1 =	rddreg [dreg:$0x1];
	p0 =	sne.s32 s2, $0x0  }
0xd2: {  	s3 =	rddreg [dreg:$0x2];
	[bflag:$0x3] =	sbarrier.arrive $0xFFFF;
	s2 =	simm.s32 @!p0 $0x1C05  }
0xd3: {  	[timem:s3], [sflag:s2] =	dma.local @!p0 [hbm:s0], s1  }
0xd4: {  	s0 =	simm.s32 @!p0 $0x5  }
0xd5: {  	_ =	swait.ge @!p0 [sflag:s0], s1  }
0xd6: {  	s1 =	ssub.s32 @!p0 $0x0, s1;
	[sflag:s0] =	ssyncset.done @!p0 $0x0  }
0xd7: {  	[sflag:s0] =	ssyncadd.s32 @!p0 s1  }
0xd8: {  	[bflag:$0x3] =	sbarrier.arrive $0xFFFF  }
0xd9: {  	_ =	shalt  }

</sc_bundles>
